<compile_context>
chip_gen: v7x
topology: tpu7x:2x2x1
jax: 0.10.2.dev20260603
libtpu: 0.0.44.dev20260713+nightly
codegen_flags: <defaults>
</compile_context>

<pallas_src>
import functools

import jax
import jax.numpy as jnp
from jax import lax
from jax.experimental import pallas as pl
from jax.experimental.pallas import tpu as pltpu
from jax.experimental.pallas import tpu_sc as plsc

VOCAB = 100000
DIM = 128
BATCH = 4096
SEQ = 200
NWIN = SEQ - 2
LANES = 16
NWORD = DIM // 32
NPLANE = 8
NBND = 6272
NPER = NBND // 4

NUM_CORES = 2
NUM_SUBCORES = 16
RPT = BATCH // 8
NGRP = RPT // LANES
NPAIR = NGRP // 2
GSZ = LANES * SEQ

PBLK = 2560


def _pack_block(tbl_ref, out_ref):
  t = tbl_ref[...]
  bits = jnp.where(t < 0.0, 1.0, 0.0)
  m_io = lax.broadcasted_iota(jnp.int32, (2 * NWORD, DIM), 0)
  d_io = lax.broadcasted_iota(jnp.int32, (2 * NWORD, DIM), 1)
  bamt = d_io & 31
  is_hi = m_io >= NWORD
  sel = ((d_io >> 5) == (m_io & 3)) & ((bamt >= 16) == is_hi)
  pw = jnp.left_shift(jnp.ones_like(bamt), bamt & 15)
  w = jnp.where(sel, pw, 0).astype(jnp.float32)
  h = lax.dot_general(w, bits, (((1,), (1,)), ((), ())),
                      preferred_element_type=jnp.float32)
  lo = h[0:NWORD, :].astype(jnp.int32)
  hi = h[NWORD:, :].astype(jnp.int32)
  out_ref[...] = lo | (hi << 16)


_pack = pl.pallas_call(
    _pack_block,
    grid=((VOCAB + PBLK - 1) // PBLK,),
    in_specs=[pl.BlockSpec((PBLK, DIM), lambda i: (i, 0))],
    out_specs=pl.BlockSpec((NWORD, PBLK), lambda i: (0, i)),
    out_shape=jax.ShapeDtypeStruct((NWORD, VOCAB), jnp.int32),
)


def _build_encode():
  mesh = plsc.VectorSubcoreMesh(core_axis_name="c", subcore_axis_name="s")

  @functools.partial(
      pl.kernel,
      out_type=jax.ShapeDtypeStruct((DIM, BATCH), jnp.float32),
      mesh=mesh,
      scratch_types=[
          pltpu.VMEM((VOCAB,), jnp.int32),
          pltpu.VMEM((NBND,), jnp.int32),
          pltpu.VMEM((2 * GSZ,), jnp.int32),
          pltpu.VMEM((32, RPT), jnp.float32),
          pltpu.MemorySpace.VMEM_SHARED((NWORD * NBND,), jnp.int32),
          pltpu.SemaphoreType.DMA,
          pltpu.SemaphoreType.DMA,
      ],
      compiler_params=pltpu.CompilerParams(needs_layout_passes=False),
  )
  def encode(x_hbm, packed_hbm, out_hbm, plane_v, bnd_v, x_v, out_v,
             sbnd, sem_a, sem_b):
    cid = lax.axis_index("c")
    sid = lax.axis_index("s")
    jj = sid % NWORD
    sg = sid // NWORD
    tg = cid * 4 + sg
    rowbase = pl.multiple_of(tg * RPT, 8)
    jp1 = (jj + 1) % NWORD

    pltpu.sync_copy(
        packed_hbm.at[pl.ds(pl.multiple_of(jj * VOCAB, 8), VOCAB)], plane_v)

    ln = lax.iota(jnp.int32, LANES)
    zero_i = jnp.zeros((LANES,), jnp.int32)
    one_i = jnp.full((LANES,), 1, jnp.int32)
    one_f = jnp.full((LANES,), 1.0, jnp.float32)
    c1v = jnp.full((LANES,), 1, jnp.int32)
    c2v = jnp.full((LANES,), 2, jnp.int32)
    c4v = jnp.full((LANES,), 4, jnp.int32)
    c15v = jnp.full((LANES,), 15, jnp.int32)
    c30v = jnp.full((LANES,), 30, jnp.int32)
    c3v = jnp.full((LANES,), 3, jnp.int32)
    lane_row_off = ln * SEQ

    w_lo = pl.multiple_of(sg * NPER, 8)
    vmax = jnp.full((LANES,), VOCAB - 1, jnp.int32)

    def bnd16(i, carry):
      wv = jnp.full((LANES,), w_lo, jnp.int32) + i * LANES + ln
      acc = zero_i
      for k in range(LANES):
        rows = jnp.minimum(wv * LANES + k, vmax)
        top2 = lax.shift_right_logical(
            plsc.load_gather(plane_v, [rows]), c30v) & c3v
        acc = acc | lax.shift_left(top2, jnp.full((LANES,), 2 * k, jnp.int32))
      plsc.store_scatter(bnd_v, [wv], acc)
      return carry

    lax.fori_loop(0, NPER // LANES, bnd16, 0)
    pltpu.sync_copy(
        bnd_v.at[pl.ds(w_lo, NPER)],
        sbnd.at[pl.ds(pl.multiple_of(jp1 * NBND + w_lo, 8), NPER)])
    plsc.subcore_barrier()
    pltpu.sync_copy(
        sbnd.at[pl.ds(pl.multiple_of(jj * NBND, 8), NBND)], bnd_v)

    def compute_group(g, halfoff):
      def window(fast, V, slide, fresh_t):
        f0, f1, wt, wt1, pt, pt1 = slide
        xidx = jnp.full((LANES,), halfoff + fresh_t, jnp.int32) + lane_row_off
        xt2 = plsc.load_gather(x_v, [xidx])
        wt2 = plsc.load_gather(plane_v, [xt2])
        bw = plsc.load_gather(bnd_v, [lax.shift_right_logical(xt2, c4v)])
        pt2 = lax.shift_right_logical(
            bw, lax.shift_left(xt2 & c15v, c1v)) & c3v
        f2 = xt2 != 0
        valid = f0 & f1 & f2
        r2 = lax.shift_left(wt, c2v) | pt
        r1 = lax.shift_left(wt1, c1v) | lax.shift_right_logical(pt1, c1v)
        bm = jnp.where(valid, r2 ^ r1 ^ wt2, zero_i)
        a0, a1, a2 = fast
        cr = a0 & bm
        a0 = a0 ^ bm
        cr2 = a1 & cr
        a1 = a1 ^ cr
        a2 = a2 ^ cr2
        V = V + jnp.where(valid, one_i, zero_i)
        return (a0, a1, a2), V, (f1, f2, wt1, wt2, pt1, pt2)

      def flush(planes, fast):
        a0, a1, a2 = fast
        c = list(planes)
        cr = c[0] & a0
        c[0] = c[0] ^ a0
        x1 = c[1] ^ a1
        ncr = (c[1] & a1) | (x1 & cr)
        c[1] = x1 ^ cr
        cr = ncr
        x2 = c[2] ^ a2
        ncr = (c[2] & a2) | (x2 & cr)
        c[2] = x2 ^ cr
        cr = ncr
        for k in range(3, NPLANE):
          nk = c[k] ^ cr
          cr = c[k] & cr
          c[k] = nk
        return tuple(c)

      def load_row(t):
        xi = plsc.load_gather(
            x_v, [jnp.full((LANES,), halfoff + t, jnp.int32) + lane_row_off])
        wi = plsc.load_gather(plane_v, [xi])
        bw = plsc.load_gather(bnd_v, [lax.shift_right_logical(xi, c4v)])
        pi = lax.shift_right_logical(bw, lax.shift_left(xi & c15v, c1v)) & c3v
        return xi != 0, wi, pi

      f0, w0, p0 = load_row(0)
      f1, w1, p1 = load_row(1)
      slide0 = (f0, f1, w0, w1, p0, p1)

      def block7(bi, state):
        planes, V, slide = state
        fast = (zero_i, zero_i, zero_i)
        t0 = bi * 7
        for u in range(7):
          fast, V, slide = window(fast, V, slide, t0 + u + 2)
        return flush(planes, fast), V, slide

      init_planes = tuple(zero_i for _ in range(NPLANE))
      planes, V, slide = lax.fori_loop(
          0, NWIN // 7, block7, (init_planes, zero_i, slide0))

      fast = (zero_i, zero_i, zero_i)
      for t in range(NWIN - (NWIN % 7), NWIN):
        fast, V, slide = window(fast, V, slide, t + 2)
      planes = flush(planes, fast)

      cols = jnp.full((LANES,), g * LANES, jnp.int32) + ln

      def unpack_b(b, carry2):
        bv = jnp.full((LANES,), b, jnp.int32)
        cnt = lax.shift_right_logical(planes[0], bv) & one_i
        for k in range(1, NPLANE):
          bit = lax.shift_right_logical(planes[k], bv) & one_i
          cnt = cnt | lax.shift_left(bit, jnp.full((LANES,), k, jnp.int32))
        val = jnp.where(cnt + cnt < V, one_f, -one_f)
        plsc.store_scatter(out_v, [bv, cols], val)
        return carry2

      lax.fori_loop(0, 32, unpack_b, 0)

    def issue_x(g, half, sem):
      goff = pl.multiple_of((rowbase + g * LANES) * SEQ, 8)
      pltpu.async_copy(x_hbm.at[pl.ds(goff, GSZ)],
                       x_v.at[pl.ds(half * GSZ, GSZ)], sem)

    def wait_x(half, sem):
      pltpu.make_async_copy(x_hbm.at[pl.ds(0, GSZ)],
                            x_v.at[pl.ds(half * GSZ, GSZ)], sem).wait()

    issue_x(0, 0, sem_a)

    def pair(i, carry):
      g0 = 2 * i
      issue_x(g0 + 1, 1, sem_b)
      wait_x(0, sem_a)
      compute_group(g0, 0)

      @pl.when(i < NPAIR - 1)
      def _():
        issue_x(g0 + 2, 0, sem_a)

      wait_x(1, sem_b)
      compute_group(g0 + 1, GSZ)
      return carry

    lax.fori_loop(0, NPAIR, pair, 0)

    pltpu.sync_copy(out_v,
                    out_hbm.at[pl.ds(pl.multiple_of(jj * 32, 8), 32),
                               pl.ds(rowbase, RPT)])

  return encode


_encode = _build_encode()


def kernel(x, table):
  x_flat = x.astype(jnp.int32).reshape(BATCH * SEQ)
  packed = _pack(table).reshape(NWORD * VOCAB)
  out_t = _encode(x_flat, packed)
  return out_t.T

# --- scband reference (transcript-rebuilt; emitter-appended) ---
"""Pipeline reference for scband-encoder-103079215788 (READ-ONLY COPY).

The authoritative reference and input builder live on the scoring server;
editing this copy changes nothing except your own understanding.
"""

import jax, jax.numpy as jnp
import numpy as np

VOCAB = 100000
DIM = 128
BATCH = 4096
SEQ = 200
PADDING_IDX = 0


def setup_inputs(seed: int = 0) -> dict:
    key = jax.random.key(seed)
    k1, k2 = jax.random.split(key)
    # forward arg: integer symbol indices
    x = jax.random.randint(k1, (BATCH, SEQ), 0, VOCAB)
    # learned/random parameter: bipolar random hypervector embedding table (torchhd embeddings.Random)
    table = jnp.where(jax.random.uniform(k2, (VOCAB, DIM)) < 0.5, -1.0, 1.0).astype(jnp.float32)
    table = table.at[PADDING_IDX].set(0.0)  # padding_idx row zeroed as in nn.Embedding
    return {"x": x, "table": table}


def reference(x, table):
    # symbols = self.symbol(x)  -> embedding gather
    symbols = jnp.take(table, x, axis=0)  # [B, L, D]
    # torchhd.ngrams(symbols, n=3): bind rolled (permuted) windows, then bundle (sum over seq)
    n = 3
    n_gram = jnp.roll(symbols[..., : -(n - 1), :], n - 1, axis=-1)
    for i in range(1, n):
        stop = None if i == (n - 1) else i - (n - 1)
        sample = jnp.roll(symbols[..., i:stop, :], n - i - 1, axis=-1)
        n_gram = n_gram * sample  # MAP bind = elementwise multiply
    sample_hv = jnp.sum(n_gram, axis=-2)  # multiset bundle over n-gram positions
    # torchhd.hard_quantize
    return jnp.where(sample_hv > 0, 1.0, -1.0).astype(jnp.float32)

if __name__ == "__main__":
    import jax
    _d = setup_inputs()
    print(jax.jit(kernel)(*tuple(_d.values())))

</pallas_src>

<mosaic_0001>
#map = affine_map<(d0, d1) -> (0)>
#map1 = affine_map<(d0, d1) -> (0, 0)>
module attributes {stable_mosaic.version = 14 : i64} {
  func.func @encode(%arg0: i32, %arg1: i32, %arg2: memref<819200xi32, #tpu.memory_space<hbm>>, %arg3: memref<400000xi32, #tpu.memory_space<hbm>>, %arg4: memref<128x4096xf32, #tpu.memory_space<hbm>>, %arg5: memref<100000xi32, #tpu.memory_space<vmem>>, %arg6: memref<6272xi32, #tpu.memory_space<vmem>>, %arg7: memref<6400xi32, #tpu.memory_space<vmem>>, %arg8: memref<32x512xf32, #tpu.memory_space<vmem>>, %arg9: memref<25088xi32, #tpu.memory_space<vmem_shared>>, %arg10: memref<!tpu.dma_semaphore, #tpu.memory_space<semaphore_mem>>, %arg11: memref<!tpu.dma_semaphore, #tpu.memory_space<semaphore_mem>>) attributes {dimension_semantics = [#tpu.dimension_semantics<core_parallel>, #tpu.dimension_semantics<subcore_parallel>], iteration_bounds = array<i64: 2, 16>, scalar_prefetch = 0 : i64, scratch_operands = 7 : i64, tpu.core_type = #tpu.core_type<sc_vector_subcore>, window_params = [{transform_indices = #map}, {transform_indices = #map}, {transform_indices = #map1}]} {
    %jit3A = arith.constant 4 : i32
    %eq3A = arith.constant 0 : i32
    %eq3A_0 = arith.cmpi eq, %jit3A, %eq3A : i32
    %jit3A_1 = arith.constant 1 : i32
    %select_n3A = arith.select %eq3A_0, %jit3A_1, %jit3A : i32
    %rem3A = arith.remsi %arg1, %select_n3A : i32
    %ne3A = arith.constant 0 : i32
    %ne3A_2 = arith.cmpi ne, %rem3A, %ne3A : i32
    %lt3A = arith.constant 0 : i32
    %lt3A_3 = arith.cmpi slt, %rem3A, %lt3A : i32
    %lt3A_4 = arith.constant 0 : i32
    %lt3A_5 = arith.cmpi slt, %select_n3A, %lt3A_4 : i32
    %ne3A_6 = arith.xori %lt3A_3, %lt3A_5 : i1
    %and3A = arith.andi %ne3A_6, %ne3A_2 : i1
    %add3A = arith.addi %rem3A, %select_n3A : i32
    %select_n3A_7 = arith.select %and3A, %add3A, %rem3A : i32
    %jit3A_8 = arith.constant 4 : i32
    %div3A = arith.divsi %arg1, %jit3A_8 : i32
    %sign3A = arith.constant 0 : i32
    %sign3A_9 = arith.cmpi sgt, %arg1, %sign3A : i32
    %sign3A_10 = arith.extui %sign3A_9 : i1 to i32
    %sign3A_11 = arith.constant 0 : i32
    %sign3A_12 = arith.cmpi slt, %arg1, %sign3A_11 : i32
    %sign3A_13 = arith.extui %sign3A_12 : i1 to i32
    %sign3A_14 = arith.subi %sign3A_10, %sign3A_13 : i32
    %sign3A_15 = arith.constant 0 : i32
    %sign3A_16 = arith.cmpi sgt, %jit3A_8, %sign3A_15 : i32
    %sign3A_17 = arith.extui %sign3A_16 : i1 to i32
    %sign3A_18 = arith.constant 0 : i32
    %sign3A_19 = arith.cmpi slt, %jit3A_8, %sign3A_18 : i32
    %sign3A_20 = arith.extui %sign3A_19 : i1 to i32
    %sign3A_21 = arith.subi %sign3A_17, %sign3A_20 : i32
    %ne3A_22 = arith.cmpi ne, %sign3A_14, %sign3A_21 : i32
    %rem3A_23 = arith.remsi %arg1, %jit3A_8 : i32
    %ne3A_24 = arith.constant 0 : i32
    %ne3A_25 = arith.cmpi ne, %rem3A_23, %ne3A_24 : i32
    %and3A_26 = arith.andi %ne3A_22, %ne3A_25 : i1
    %sub3A = arith.constant 1 : i32
    %sub3A_27 = arith.subi %div3A, %sub3A : i32
    %select_n3A_28 = arith.select %and3A_26, %sub3A_27, %div3A : i32
    %mul3A = arith.constant 4 : i32
    %mul3A_29 = arith.muli %arg0, %mul3A : i32
    %add3A_30 = arith.addi %mul3A_29, %select_n3A_28 : i32
    %mul3A_31 = arith.constant 512 : i32
    %mul3A_32 = arith.muli %add3A_30, %mul3A_31 : i32
    %multiple_of3A = tpu.assume_multiple %mul3A_32, 8 : i32
    %add3A_33 = arith.constant 1 : i32
    %add3A_34 = arith.addi %select_n3A_7, %add3A_33 : i32
    %jit3A_35 = arith.constant 4 : i32
    %eq3A_36 = arith.constant 0 : i32
    %eq3A_37 = arith.cmpi eq, %jit3A_35, %eq3A_36 : i32
    %jit3A_38 = arith.constant 1 : i32
    %select_n3A_39 = arith.select %eq3A_37, %jit3A_38, %jit3A_35 : i32
    %rem3A_40 = arith.remsi %add3A_34, %select_n3A_39 : i32
    %ne3A_41 = arith.constant 0 : i32
    %ne3A_42 = arith.cmpi ne, %rem3A_40, %ne3A_41 : i32
    %lt3A_43 = arith.constant 0 : i32
    %lt3A_44 = arith.cmpi slt, %rem3A_40, %lt3A_43 : i32
    %lt3A_45 = arith.constant 0 : i32
    %lt3A_46 = arith.cmpi slt, %select_n3A_39, %lt3A_45 : i32
    %ne3A_47 = arith.xori %lt3A_44, %lt3A_46 : i1
    %and3A_48 = arith.andi %ne3A_47, %ne3A_42 : i1
    %add3A_49 = arith.addi %rem3A_40, %select_n3A_39 : i32
    %select_n3A_50 = arith.select %and3A_48, %add3A_49, %rem3A_40 : i32
    %mul3A_51 = arith.constant 100000 : i32
    %mul3A_52 = arith.muli %select_n3A_7, %mul3A_51 : i32
    %multiple_of3A_53 = tpu.assume_multiple %mul3A_52, 8 : i32
    "tpu.region"() ({
      %run_scoped3A = tpu.sem_alloc : memref<!tpu.dma_semaphore, #tpu.memory_space<semaphore_mem>>
      %dma_start3A_110 = tpu.memref_slice %arg3[%multiple_of3A_53] : memref<400000xi32, #tpu.memory_space<hbm>> -> memref<100000xi32, #tpu.memory_space<hbm>>
      %dma_start3A_111 = tpu.memref_slice %arg3[%multiple_of3A_53] : memref<400000xi32, #tpu.memory_space<hbm>> -> memref<100000xi32, #tpu.memory_space<hbm>>
      tpu.enqueue_dma source(%dma_start3A_111 : memref<100000xi32, #tpu.memory_space<hbm>>) target(%arg5 : memref<100000xi32, #tpu.memory_space<vmem>>) target_semaphore(%run_scoped3A : memref<!tpu.dma_semaphore, #tpu.memory_space<semaphore_mem>>)
      %dma_wait3A = tpu.memref_slice %arg3[%multiple_of3A_53] : memref<400000xi32, #tpu.memory_space<hbm>> -> memref<100000xi32, #tpu.memory_space<hbm>>
      %dma_wait3A_112 = tpu.memref_slice %arg3[%multiple_of3A_53] : memref<400000xi32, #tpu.memory_space<hbm>> -> memref<100000xi32, #tpu.memory_space<hbm>>
      tpu.wait_dma2 semaphore(%run_scoped3A : memref<!tpu.dma_semaphore, #tpu.memory_space<semaphore_mem>>) src(%dma_wait3A_112 : memref<100000xi32, #tpu.memory_space<hbm>>) dst(%arg5 : memref<100000xi32, #tpu.memory_space<vmem>>)
      tpu.yield
    }) : () -> ()
    %iota3A = tpu.iota {dimensions = array<i32: 0>} : vector<16xi32>
    %broadcast_in_dim3A = arith.constant 0 : i32
    %broadcast_in_dim3A_54 = vector.broadcast %broadcast_in_dim3A : i32 to vector<16xi32>
    %broadcast_in_dim3A_55 = arith.constant 1 : i32
    %broadcast_in_dim3A_56 = vector.broadcast %broadcast_in_dim3A_55 : i32 to vector<16xi32>
    %broadcast_in_dim3A_57 = arith.constant 1.000000e+00 : f32
    %broadcast_in_dim3A_58 = vector.broadcast %broadcast_in_dim3A_57 : f32 to vector<16xf32>
    %broadcast_in_dim3A_59 = arith.constant 1 : i32
    %broadcast_in_dim3A_60 = vector.broadcast %broadcast_in_dim3A_59 : i32 to vector<16xi32>
    %broadcast_in_dim3A_61 = arith.constant 2 : i32
    %broadcast_in_dim3A_62 = vector.broadcast %broadcast_in_dim3A_61 : i32 to vector<16xi32>
    %broadcast_in_dim3A_63 = arith.constant 4 : i32
    %broadcast_in_dim3A_64 = vector.broadcast %broadcast_in_dim3A_63 : i32 to vector<16xi32>
    %broadcast_in_dim3A_65 = arith.constant 15 : i32
    %broadcast_in_dim3A_66 = vector.broadcast %broadcast_in_dim3A_65 : i32 to vector<16xi32>
    %broadcast_in_dim3A_67 = arith.constant 30 : i32
    %broadcast_in_dim3A_68 = vector.broadcast %broadcast_in_dim3A_67 : i32 to vector<16xi32>
    %broadcast_in_dim3A_69 = arith.constant 3 : i32
    %broadcast_in_dim3A_70 = vector.broadcast %broadcast_in_dim3A_69 : i32 to vector<16xi32>
    %mul3A_71 = arith.constant 200 : i32
    %mul3A_72 = vector.broadcast %mul3A_71 : i32 to vector<16xi32>
    %mul3A_73 = arith.muli %iota3A, %mul3A_72 : vector<16xi32>
    %mul3A_74 = arith.constant 1568 : i32
    %mul3A_75 = arith.muli %select_n3A_28, %mul3A_74 : i32
    %multiple_of3A_76 = tpu.assume_multiple %mul3A_75, 8 : i32
    %broadcast_in_dim3A_77 = arith.constant 99999 : i32
    %broadcast_in_dim3A_78 = vector.broadcast %broadcast_in_dim3A_77 : i32 to vector<16xi32>
    %scan3A = arith.constant 0 : i32
    %scan3A_79 = arith.constant 0 : i32
    %scan3A_80 = arith.constant 98 : i32
    %scan3A_81 = arith.addi %scan3A_79, %scan3A_80 : i32
    %scan3A_82 = arith.constant 1 : i32
    scf.for %scan3A_110 = %scan3A_79 to %scan3A_81 step %scan3A_82  : i32 {
      %broadcast_in_dim3A_111 = vector.broadcast %multiple_of3A_76 : i32 to vector<16xi32>
      %mul3A_112 = arith.constant 16 : i32
      %mul3A_113 = arith.muli %scan3A_110, %mul3A_112 : i32
      %add3A_114 = vector.broadcast %mul3A_113 : i32 to vector<16xi32>
      %add3A_115 = arith.addi %broadcast_in_dim3A_111, %add3A_114 : vector<16xi32>
      %add3A_116 = arith.addi %add3A_115, %iota3A : vector<16xi32>
      %mul3A_117 = arith.constant 16 : i32
      %mul3A_118 = vector.broadcast %mul3A_117 : i32 to vector<16xi32>
      %mul3A_119 = arith.muli %add3A_116, %mul3A_118 : vector<16xi32>
      %add3A_120 = arith.constant 0 : i32
      %add3A_121 = vector.broadcast %add3A_120 : i32 to vector<16xi32>
      %add3A_122 = arith.addi %mul3A_119, %add3A_121 : vector<16xi32>
      %min3A = arith.minsi %add3A_122, %broadcast_in_dim3A_78 : vector<16xi32>
      %gather3A = tpu.vector_load_idx %arg5[%min3A] : memref<100000xi32, #tpu.memory_space<vmem>>[vector<16xi32>], vector<16xi32>,
      %shift_right_logical3A = arith.shrui %gather3A, %broadcast_in_dim3A_68 : vector<16xi32>
      %and3A_123 = arith.andi %shift_right_logical3A, %broadcast_in_dim3A_70 : vector<16xi32>
      %broadcast_in_dim3A_124 = arith.constant 0 : i32
      %broadcast_in_dim3A_125 = vector.broadcast %broadcast_in_dim3A_124 : i32 to vector<16xi32>
      %shift_left3A = arith.shli %and3A_123, %broadcast_in_dim3A_125 : vector<16xi32>
      %or3A = arith.ori %broadcast_in_dim3A_54, %shift_left3A : vector<16xi32>
      %mul3A_126 = arith.constant 16 : i32
      %mul3A_127 = vector.broadcast %mul3A_126 : i32 to vector<16xi32>
      %mul3A_128 = arith.muli %add3A_116, %mul3A_127 : vector<16xi32>
      %add3A_129 = arith.constant 1 : i32
      %add3A_130 = vector.broadcast %add3A_129 : i32 to vector<16xi32>
      %add3A_131 = arith.addi %mul3A_128, %add3A_130 : vector<16xi32>
      %min3A_132 = arith.minsi %add3A_131, %broadcast_in_dim3A_78 : vector<16xi32>
      %gather3A_133 = tpu.vector_load_idx %arg5[%min3A_132] : memref<100000xi32, #tpu.memory_space<vmem>>[vector<16xi32>], vector<16xi32>,
      %shift_right_logical3A_134 = arith.shrui %gather3A_133, %broadcast_in_dim3A_68 : vector<16xi32>
      %and3A_135 = arith.andi %shift_right_logical3A_134, %broadcast_in_dim3A_70 : vector<16xi32>
      %broadcast_in_dim3A_136 = arith.constant 2 : i32
      %broadcast_in_dim3A_137 = vector.broadcast %broadcast_in_dim3A_136 : i32 to vector<16xi32>
      %shift_left3A_138 = arith.shli %and3A_135, %broadcast_in_dim3A_137 : vector<16xi32>
      %or3A_139 = arith.ori %or3A, %shift_left3A_138 : vector<16xi32>
      %mul3A_140 = arith.constant 16 : i32
      %mul3A_141 = vector.broadcast %mul3A_140 : i32 to vector<16xi32>
      %mul3A_142 = arith.muli %add3A_116, %mul3A_141 : vector<16xi32>
      %add3A_143 = arith.constant 2 : i32
      %add3A_144 = vector.broadcast %add3A_143 : i32 to vector<16xi32>
      %add3A_145 = arith.addi %mul3A_142, %add3A_144 : vector<16xi32>
      %min3A_146 = arith.minsi %add3A_145, %broadcast_in_dim3A_78 : vector<16xi32>
      %gather3A_147 = tpu.vector_load_idx %arg5[%min3A_146] : memref<100000xi32, #tpu.memory_space<vmem>>[vector<16xi32>], vector<16xi32>,
      %shift_right_logical3A_148 = arith.shrui %gather3A_147, %broadcast_in_dim3A_68 : vector<16xi32>
      %and3A_149 = arith.andi %shift_right_logical3A_148, %broadcast_in_dim3A_70 : vector<16xi32>
      %broadcast_in_dim3A_150 = arith.constant 4 : i32
      %broadcast_in_dim3A_151 = vector.broadcast %broadcast_in_dim3A_150 : i32 to vector<16xi32>
      %shift_left3A_152 = arith.shli %and3A_149, %broadcast_in_dim3A_151 : vector<16xi32>
      %or3A_153 = arith.ori %or3A_139, %shift_left3A_152 : vector<16xi32>
      %mul3A_154 = arith.constant 16 : i32
      %mul3A_155 = vector.broadcast %mul3A_154 : i32 to vector<16xi32>
      %mul3A_156 = arith.muli %add3A_116, %mul3A_155 : vector<16xi32>
      %add3A_157 = arith.constant 3 : i32
      %add3A_158 = vector.broadcast %add3A_157 : i32 to vector<16xi32>
      %add3A_159 = arith.addi %mul3A_156, %add3A_158 : vector<16xi32>
      %min3A_160 = arith.minsi %add3A_159, %broadcast_in_dim3A_78 : vector<16xi32>
      %gather3A_161 = tpu.vector_load_idx %arg5[%min3A_160] : memref<100000xi32, #tpu.memory_space<vmem>>[vector<16xi32>], vector<16xi32>,
      %shift_right_logical3A_162 = arith.shrui %gather3A_161, %broadcast_in_dim3A_68 : vector<16xi32>
      %and3A_163 = arith.andi %shift_right_logical3A_162, %broadcast_in_dim3A_70 : vector<16xi32>
      %broadcast_in_dim3A_164 = arith.constant 6 : i32
      %broadcast_in_dim3A_165 = vector.broadcast %broadcast_in_dim3A_164 : i32 to vector<16xi32>
      %shift_left3A_166 = arith.shli %and3A_163, %broadcast_in_dim3A_165 : vector<16xi32>
      %or3A_167 = arith.ori %or3A_153, %shift_left3A_166 : vector<16xi32>
      %mul3A_168 = arith.constant 16 : i32
      %mul3A_169 = vector.broadcast %mul3A_168 : i32 to vector<16xi32>
      %mul3A_170 = arith.muli %add3A_116, %mul3A_169 : vector<16xi32>
      %add3A_171 = arith.constant 4 : i32
      %add3A_172 = vector.broadcast %add3A_171 : i32 to vector<16xi32>
      %add3A_173 = arith.addi %mul3A_170, %add3A_172 : vector<16xi32>
      %min3A_174 = arith.minsi %add3A_173, %broadcast_in_dim3A_78 : vector<16xi32>
      %gather3A_175 = tpu.vector_load_idx %arg5[%min3A_174] : memref<100000xi32, #tpu.memory_space<vmem>>[vector<16xi32>], vector<16xi32>,
      %shift_right_logical3A_176 = arith.shrui %gather3A_175, %broadcast_in_dim3A_68 : vector<16xi32>
      %and3A_177 = arith.andi %shift_right_logical3A_176, %broadcast_in_dim3A_70 : vector<16xi32>
      %broadcast_in_dim3A_178 = arith.constant 8 : i32
      %broadcast_in_dim3A_179 = vector.broadcast %broadcast_in_dim3A_178 : i32 to vector<16xi32>
      %shift_left3A_180 = arith.shli %and3A_177, %broadcast_in_dim3A_179 : vector<16xi32>
      %or3A_181 = arith.ori %or3A_167, %shift_left3A_180 : vector<16xi32>
      %mul3A_182 = arith.constant 16 : i32
      %mul3A_183 = vector.broadcast %mul3A_182 : i32 to vector<16xi32>
      %mul3A_184 = arith.muli %add3A_116, %mul3A_183 : vector<16xi32>
      %add3A_185 = arith.constant 5 : i32
      %add3A_186 = vector.broadcast %add3A_185 : i32 to vector<16xi32>
      %add3A_187 = arith.addi %mul3A_184, %add3A_186 : vector<16xi32>
      %min3A_188 = arith.minsi %add3A_187, %broadcast_in_dim3A_78 : vector<16xi32>
      %gather3A_189 = tpu.vector_load_idx %arg5[%min3A_188] : memref<100000xi32, #tpu.memory_space<vmem>>[vector<16xi32>], vector<16xi32>,
      %shift_right_logical3A_190 = arith.shrui %gather3A_189, %broadcast_in_dim3A_68 : vector<16xi32>
      %and3A_191 = arith.andi %shift_right_logical3A_190, %broadcast_in_dim3A_70 : vector<16xi32>
      %broadcast_in_dim3A_192 = arith.constant 10 : i32
      %broadcast_in_dim3A_193 = vector.broadcast %broadcast_in_dim3A_192 : i32 to vector<16xi32>
      %shift_left3A_194 = arith.shli %and3A_191, %broadcast_in_dim3A_193 : vector<16xi32>
      %or3A_195 = arith.ori %or3A_181, %shift_left3A_194 : vector<16xi32>
      %mul3A_196 = arith.constant 16 : i32
      %mul3A_197 = vector.broadcast %mul3A_196 : i32 to vector<16xi32>
      %mul3A_198 = arith.muli %add3A_116, %mul3A_197 : vector<16xi32>
      %add3A_199 = arith.constant 6 : i32
      %add3A_200 = vector.broadcast %add3A_199 : i32 to vector<16xi32>
      %add3A_201 = arith.addi %mul3A_198, %add3A_200 : vector<16xi32>
      %min3A_202 = arith.minsi %add3A_201, %broadcast_in_dim3A_78 : vector<16xi32>
      %gather3A_203 = tpu.vector_load_idx %arg5[%min3A_202] : memref<100000xi32, #tpu.memory_space<vmem>>[vector<16xi32>], vector<16xi32>,
      %shift_right_logical3A_204 = arith.shrui %gather3A_203, %broadcast_in_dim3A_68 : vector<16xi32>
      %and3A_205 = arith.andi %shift_right_logical3A_204, %broadcast_in_dim3A_70 : vector<16xi32>
      %broadcast_in_dim3A_206 = arith.constant 12 : i32
      %broadcast_in_dim3A_207 = vector.broadcast %broadcast_in_dim3A_206 : i32 to vector<16xi32>
      %shift_left3A_208 = arith.shli %and3A_205, %broadcast_in_dim3A_207 : vector<16xi32>
      %or3A_209 = arith.ori %or3A_195, %shift_left3A_208 : vector<16xi32>
      %mul3A_210 = arith.constant 16 : i32
      %mul3A_211 = vector.broadcast %mul3A_210 : i32 to vector<16xi32>
      %mul3A_212 = arith.muli %add3A_116, %mul3A_211 : vector<16xi32>
      %add3A_213 = arith.constant 7 : i32
      %add3A_214 = vector.broadcast %add3A_213 : i32 to vector<16xi32>
      %add3A_215 = arith.addi %mul3A_212, %add3A_214 : vector<16xi32>
      %min3A_216 = arith.minsi %add3A_215, %broadcast_in_dim3A_78 : vector<16xi32>
      %gather3A_217 = tpu.vector_load_idx %arg5[%min3A_216] : memref<100000xi32, #tpu.memory_space<vmem>>[vector<16xi32>], vector<16xi32>,
      %shift_right_logical3A_218 = arith.shrui %gather3A_217, %broadcast_in_dim3A_68 : vector<16xi32>
      %and3A_219 = arith.andi %shift_right_logical3A_218, %broadcast_in_dim3A_70 : vector<16xi32>
      %broadcast_in_dim3A_220 = arith.constant 14 : i32
      %broadcast_in_dim3A_221 = vector.broadcast %broadcast_in_dim3A_220 : i32 to vector<16xi32>
      %shift_left3A_222 = arith.shli %and3A_219, %broadcast_in_dim3A_221 : vector<16xi32>
      %or3A_223 = arith.ori %or3A_209, %shift_left3A_222 : vector<16xi32>
      %mul3A_224 = arith.constant 16 : i32
      %mul3A_225 = vector.broadcast %mul3A_224 : i32 to vector<16xi32>
      %mul3A_226 = arith.muli %add3A_116, %mul3A_225 : vector<16xi32>
      %add3A_227 = arith.constant 8 : i32
      %add3A_228 = vector.broadcast %add3A_227 : i32 to vector<16xi32>
      %add3A_229 = arith.addi %mul3A_226, %add3A_228 : vector<16xi32>
      %min3A_230 = arith.minsi %add3A_229, %broadcast_in_dim3A_78 : vector<16xi32>
      %gather3A_231 = tpu.vector_load_idx %arg5[%min3A_230] : memref<100000xi32, #tpu.memory_space<vmem>>[vector<16xi32>], vector<16xi32>,
      %shift_right_logical3A_232 = arith.shrui %gather3A_231, %broadcast_in_dim3A_68 : vector<16xi32>
      %and3A_233 = arith.andi %shift_right_logical3A_232, %broadcast_in_dim3A_70 : vector<16xi32>
      %broadcast_in_dim3A_234 = arith.constant 16 : i32
      %broadcast_in_dim3A_235 = vector.broadcast %broadcast_in_dim3A_234 : i32 to vector<16xi32>
      %shift_left3A_236 = arith.shli %and3A_233, %broadcast_in_dim3A_235 : vector<16xi32>
      %or3A_237 = arith.ori %or3A_223, %shift_left3A_236 : vector<16xi32>
      %mul3A_238 = arith.constant 16 : i32
      %mul3A_239 = vector.broadcast %mul3A_238 : i32 to vector<16xi32>
      %mul3A_240 = arith.muli %add3A_116, %mul3A_239 : vector<16xi32>
      %add3A_241 = arith.constant 9 : i32
      %add3A_242 = vector.broadcast %add3A_241 : i32 to vector<16xi32>
      %add3A_243 = arith.addi %mul3A_240, %add3A_242 : vector<16xi32>
      %min3A_244 = arith.minsi %add3A_243, %broadcast_in_dim3A_78 : vector<16xi32>
      %gather3A_245 = tpu.vector_load_idx %arg5[%min3A_244] : memref<100000xi32, #tpu.memory_space<vmem>>[vector<16xi32>], vector<16xi32>,
      %shift_right_logical3A_246 = arith.shrui %gather3A_245, %broadcast_in_dim3A_68 : vector<16xi32>
      %and3A_247 = arith.andi %shift_right_logical3A_246, %broadcast_in_dim3A_70 : vector<16xi32>
      %broadcast_in_dim3A_248 = arith.constant 18 : i32
      %broadcast_in_dim3A_249 = vector.broadcast %broadcast_in_dim3A_248 : i32 to vector<16xi32>
      %shift_left3A_250 = arith.shli %and3A_247, %broadcast_in_dim3A_249 : vector<16xi32>
      %or3A_251 = arith.ori %or3A_237, %shift_left3A_250 : vector<16xi32>
      %mul3A_252 = arith.constant 16 : i32
      %mul3A_253 = vector.broadcast %mul3A_252 : i32 to vector<16xi32>
      %mul3A_254 = arith.muli %add3A_116, %mul3A_253 : vector<16xi32>
      %add3A_255 = arith.constant 10 : i32
      %add3A_256 = vector.broadcast %add3A_255 : i32 to vector<16xi32>
      %add3A_257 = arith.addi %mul3A_254, %add3A_256 : vector<16xi32>
      %min3A_258 = arith.minsi %add3A_257, %broadcast_in_dim3A_78 : vector<16xi32>
      %gather3A_259 = tpu.vector_load_idx %arg5[%min3A_258] : memref<100000xi32, #tpu.memory_space<vmem>>[vector<16xi32>], vector<16xi32>,
      %shift_right_logical3A_260 = arith.shrui %gather3A_259, %broadcast_in_dim3A_68 : vector<16xi32>
      %and3A_261 = arith.andi %shift_right_logical3A_260, %broadcast_in_dim3A_70 : vector<16xi32>
      %broadcast_in_dim3A_262 = arith.constant 20 : i32
      %broadcast_in_dim3A_263 = vector.broadcast %broadcast_in_dim3A_262 : i32 to vector<16xi32>
      %shift_left3A_264 = arith.shli %and3A_261, %broadcast_in_dim3A_263 : vector<16xi32>
      %or3A_265 = arith.ori %or3A_251, %shift_left3A_264 : vector<16xi32>
      %mul3A_266 = arith.constant 16 : i32
      %mul3A_267 = vector.broadcast %mul3A_266 : i32 to vector<16xi32>
      %mul3A_268 = arith.muli %add3A_116, %mul3A_267 : vector<16xi32>
      %add3A_269 = arith.constant 11 : i32
      %add3A_270 = vector.broadcast %add3A_269 : i32 to vector<16xi32>
      %add3A_271 = arith.addi %mul3A_268, %add3A_270 : vector<16xi32>
      %min3A_272 = arith.minsi %add3A_271, %broadcast_in_dim3A_78 : vector<16xi32>
      %gather3A_273 = tpu.vector_load_idx %arg5[%min3A_272] : memref<100000xi32, #tpu.memory_space<vmem>>[vector<16xi32>], vector<16xi32>,
      %shift_right_logical3A_274 = arith.shrui %gather3A_273, %broadcast_in_dim3A_68 : vector<16xi32>
      %and3A_275 = arith.andi %shift_right_logical3A_274, %broadcast_in_dim3A_70 : vector<16xi32>
      %broadcast_in_dim3A_276 = arith.constant 22 : i32
      %broadcast_in_dim3A_277 = vector.broadcast %broadcast_in_dim3A_276 : i32 to vector<16xi32>
      %shift_left3A_278 = arith.shli %and3A_275, %broadcast_in_dim3A_277 : vector<16xi32>
      %or3A_279 = arith.ori %or3A_265, %shift_left3A_278 : vector<16xi32>
      %mul3A_280 = arith.constant 16 : i32
      %mul3A_281 = vector.broadcast %mul3A_280 : i32 to vector<16xi32>
      %mul3A_282 = arith.muli %add3A_116, %mul3A_281 : vector<16xi32>
      %add3A_283 = arith.constant 12 : i32
      %add3A_284 = vector.broadcast %add3A_283 : i32 to vector<16xi32>
      %add3A_285 = arith.addi %mul3A_282, %add3A_284 : vector<16xi32>
      %min3A_286 = arith.minsi %add3A_285, %broadcast_in_dim3A_78 : vector<16xi32>
      %gather3A_287 = tpu.vector_load_idx %arg5[%min3A_286] : memref<100000xi32, #tpu.memory_space<vmem>>[vector<16xi32>], vector<16xi32>,
      %shift_right_logical3A_288 = arith.shrui %gather3A_287, %broadcast_in_dim3A_68 : vector<16xi32>
      %and3A_289 = arith.andi %shift_right_logical3A_288, %broadcast_in_dim3A_70 : vector<16xi32>
      %broadcast_in_dim3A_290 = arith.constant 24 : i32
      %broadcast_in_dim3A_291 = vector.broadcast %broadcast_in_dim3A_290 : i32 to vector<16xi32>
      %shift_left3A_292 = arith.shli %and3A_289, %broadcast_in_dim3A_291 : vector<16xi32>
      %or3A_293 = arith.ori %or3A_279, %shift_left3A_292 : vector<16xi32>
      %mul3A_294 = arith.constant 16 : i32
      %mul3A_295 = vector.broadcast %mul3A_294 : i32 to vector<16xi32>
      %mul3A_296 = arith.muli %add3A_116, %mul3A_295 : vector<16xi32>
      %add3A_297 = arith.constant 13 : i32
      %add3A_298 = vector.broadcast %add3A_297 : i32 to vector<16xi32>
      %add3A_299 = arith.addi %mul3A_296, %add3A_298 : vector<16xi32>
      %min3A_300 = arith.minsi %add3A_299, %broadcast_in_dim3A_78 : vector<16xi32>
      %gather3A_301 = tpu.vector_load_idx %arg5[%min3A_300] : memref<100000xi32, #tpu.memory_space<vmem>>[vector<16xi32>], vector<16xi32>,
      %shift_right_logical3A_302 = arith.shrui %gather3A_301, %broadcast_in_dim3A_68 : vector<16xi32>
      %and3A_303 = arith.andi %shift_right_logical3A_302, %broadcast_in_dim3A_70 : vector<16xi32>
      %broadcast_in_dim3A_304 = arith.constant 26 : i32
      %broadcast_in_dim3A_305 = vector.broadcast %broadcast_in_dim3A_304 : i32 to vector<16xi32>
      %shift_left3A_306 = arith.shli %and3A_303, %broadcast_in_dim3A_305 : vector<16xi32>
      %or3A_307 = arith.ori %or3A_293, %shift_left3A_306 : vector<16xi32>
      %mul3A_308 = arith.constant 16 : i32
      %mul3A_309 = vector.broadcast %mul3A_308 : i32 to vector<16xi32>
      %mul3A_310 = arith.muli %add3A_116, %mul3A_309 : vector<16xi32>
      %add3A_311 = arith.constant 14 : i32
      %add3A_312 = vector.broadcast %add3A_311 : i32 to vector<16xi32>
      %add3A_313 = arith.addi %mul3A_310, %add3A_312 : vector<16xi32>
      %min3A_314 = arith.minsi %add3A_313, %broadcast_in_dim3A_78 : vector<16xi32>
      %gather3A_315 = tpu.vector_load_idx %arg5[%min3A_314] : memref<100000xi32, #tpu.memory_space<vmem>>[vector<16xi32>], vector<16xi32>,
      %shift_right_logical3A_316 = arith.shrui %gather3A_315, %broadcast_in_dim3A_68 : vector<16xi32>
      %and3A_317 = arith.andi %shift_right_logical3A_316, %broadcast_in_dim3A_70 : vector<16xi32>
      %broadcast_in_dim3A_318 = arith.constant 28 : i32
      %broadcast_in_dim3A_319 = vector.broadcast %broadcast_in_dim3A_318 : i32 to vector<16xi32>
      %shift_left3A_320 = arith.shli %and3A_317, %broadcast_in_dim3A_319 : vector<16xi32>
      %or3A_321 = arith.ori %or3A_307, %shift_left3A_320 : vector<16xi32>
      %mul3A_322 = arith.constant 16 : i32
      %mul3A_323 = vector.broadcast %mul3A_322 : i32 to vector<16xi32>
      %mul3A_324 = arith.muli %add3A_116, %mul3A_323 : vector<16xi32>
      %add3A_325 = arith.constant 15 : i32
      %add3A_326 = vector.broadcast %add3A_325 : i32 to vector<16xi32>
      %add3A_327 = arith.addi %mul3A_324, %add3A_326 : vector<16xi32>
      %min3A_328 = arith.minsi %add3A_327, %broadcast_in_dim3A_78 : vector<16xi32>
      %gather3A_329 = tpu.vector_load_idx %arg5[%min3A_328] : memref<100000xi32, #tpu.memory_space<vmem>>[vector<16xi32>], vector<16xi32>,
      %shift_right_logical3A_330 = arith.shrui %gather3A_329, %broadcast_in_dim3A_68 : vector<16xi32>
      %and3A_331 = arith.andi %shift_right_logical3A_330, %broadcast_in_dim3A_70 : vector<16xi32>
      %broadcast_in_dim3A_332 = arith.constant 30 : i32
      %broadcast_in_dim3A_333 = vector.broadcast %broadcast_in_dim3A_332 : i32 to vector<16xi32>
      %shift_left3A_334 = arith.shli %and3A_331, %broadcast_in_dim3A_333 : vector<16xi32>
      %or3A_335 = arith.ori %or3A_321, %shift_left3A_334 : vector<16xi32>
      tpu.vector_store_idx %arg6[%add3A_116], %or3A_335 : memref<6272xi32, #tpu.memory_space<vmem>>[vector<16xi32>], vector<16xi32>,
    }
    %scan3A_83 = arith.constant 98 : i32
    %mul3A_84 = arith.constant 6272 : i32
    %mul3A_85 = arith.muli %select_n3A_50, %mul3A_84 : i32
    %add3A_86 = arith.addi %mul3A_85, %multiple_of3A_76 : i32
    %multiple_of3A_87 = tpu.assume_multiple %add3A_86, 8 : i32
    "tpu.region"() ({
      %run_scoped3A = tpu.sem_alloc : memref<!tpu.dma_semaphore, #tpu.memory_space<semaphore_mem>>
      %dma_start3A_110 = tpu.memref_slice %arg6[%multiple_of3A_76] : memref<6272xi32, #tpu.memory_space<vmem>> -> memref<1568xi32, #tpu.memory_space<vmem>>
      %dma_start3A_111 = tpu.memref_slice %arg9[%multiple_of3A_87] : memref<25088xi32, #tpu.memory_space<vmem_shared>> -> memref<1568xi32, #tpu.memory_space<vmem_shared>>
      %dma_start3A_112 = tpu.memref_slice %arg9[%multiple_of3A_87] : memref<25088xi32, #tpu.memory_space<vmem_shared>> -> memref<1568xi32, #tpu.memory_space<vmem_shared>>
      %dma_start3A_113 = tpu.memref_slice %arg6[%multiple_of3A_76] : memref<6272xi32, #tpu.memory_space<vmem>> -> memref<1568xi32, #tpu.memory_space<vmem>>
      tpu.enqueue_dma source(%dma_start3A_113 : memref<1568xi32, #tpu.memory_space<vmem>>) target(%dma_start3A_112 : memref<1568xi32, #tpu.memory_space<vmem_shared>>) target_semaphore(%run_scoped3A : memref<!tpu.dma_semaphore, #tpu.memory_space<semaphore_mem>>)
      %dma_wait3A = tpu.memref_slice %arg6[%multiple_of3A_76] : memref<6272xi32, #tpu.memory_space<vmem>> -> memref<1568xi32, #tpu.memory_space<vmem>>
      %dma_wait3A_114 = tpu.memref_slice %arg9[%multiple_of3A_87] : memref<25088xi32, #tpu.memory_space<vmem_shared>> -> memref<1568xi32, #tpu.memory_space<vmem_shared>>
      %dma_wait3A_115 = tpu.memref_slice %arg9[%multiple_of3A_87] : memref<25088xi32, #tpu.memory_space<vmem_shared>> -> memref<1568xi32, #tpu.memory_space<vmem_shared>>
      %dma_wait3A_116 = tpu.memref_slice %arg6[%multiple_of3A_76] : memref<6272xi32, #tpu.memory_space<vmem>> -> memref<1568xi32, #tpu.memory_space<vmem>>
      tpu.wait_dma2 semaphore(%run_scoped3A : memref<!tpu.dma_semaphore, #tpu.memory_space<semaphore_mem>>) src(%dma_wait3A_116 : memref<1568xi32, #tpu.memory_space<vmem>>) dst(%dma_wait3A_115 : memref<1568xi32, #tpu.memory_space<vmem_shared>>)
      tpu.yield
    }) : () -> ()
    %barrier3A = arith.constant 0 : index
    tpu.barrier barrier_id(%barrier3A)
    %mul3A_88 = arith.constant 6272 : i32
    %mul3A_89 = arith.muli %select_n3A_7, %mul3A_88 : i32
    %multiple_of3A_90 = tpu.assume_multiple %mul3A_89, 8 : i32
    "tpu.region"() ({
      %run_scoped3A = tpu.sem_alloc : memref<!tpu.dma_semaphore, #tpu.memory_space<semaphore_mem>>
      %dma_start3A_110 = tpu.memref_slice %arg9[%multiple_of3A_90] : memref<25088xi32, #tpu.memory_space<vmem_shared>> -> memref<6272xi32, #tpu.memory_space<vmem_shared>>
      %dma_start3A_111 = tpu.memref_slice %arg9[%multiple_of3A_90] : memref<25088xi32, #tpu.memory_space<vmem_shared>> -> memref<6272xi32, #tpu.memory_space<vmem_shared>>
      tpu.enqueue_dma source(%dma_start3A_111 : memref<6272xi32, #tpu.memory_space<vmem_shared>>) target(%arg6 : memref<6272xi32, #tpu.memory_space<vmem>>) target_semaphore(%run_scoped3A : memref<!tpu.dma_semaphore, #tpu.memory_space<semaphore_mem>>)
      %dma_wait3A = tpu.memref_slice %arg9[%multiple_of3A_90] : memref<25088xi32, #tpu.memory_space<vmem_shared>> -> memref<6272xi32, #tpu.memory_space<vmem_shared>>
      %dma_wait3A_112 = tpu.memref_slice %arg9[%multiple_of3A_90] : memref<25088xi32, #tpu.memory_space<vmem_shared>> -> memref<6272xi32, #tpu.memory_space<vmem_shared>>
      tpu.wait_dma2 semaphore(%run_scoped3A : memref<!tpu.dma_semaphore, #tpu.memory_space<semaphore_mem>>) src(%dma_wait3A_112 : memref<6272xi32, #tpu.memory_space<vmem_shared>>) dst(%arg6 : memref<6272xi32, #tpu.memory_space<vmem>>)
      tpu.yield
    }) : () -> ()
    %add3A_91 = arith.constant 0 : i32
    %add3A_92 = arith.addi %multiple_of3A, %add3A_91 : i32
    %mul3A_93 = arith.constant 200 : i32
    %mul3A_94 = arith.muli %add3A_92, %mul3A_93 : i32
    %multiple_of3A_95 = tpu.assume_multiple %mul3A_94, 8 : i32
    %dma_start3A = arith.constant 0 : i32
    %dma_start3A_96 = tpu.memref_slice %arg7[%dma_start3A] : memref<6400xi32, #tpu.memory_space<vmem>> -> memref<3200xi32, #tpu.memory_space<vmem>>
    %dma_start3A_97 = tpu.memref_slice %arg2[%multiple_of3A_95] : memref<819200xi32, #tpu.memory_space<hbm>> -> memref<3200xi32, #tpu.memory_space<hbm>>
    %dma_start3A_98 = arith.constant 0 : i32
    %dma_start3A_99 = tpu.memref_slice %arg7[%dma_start3A_98] : memref<6400xi32, #tpu.memory_space<vmem>> -> memref<3200xi32, #tpu.memory_space<vmem>>
    %dma_start3A_100 = tpu.memref_slice %arg2[%multiple_of3A_95] : memref<819200xi32, #tpu.memory_space<hbm>> -> memref<3200xi32, #tpu.memory_space<hbm>>
    tpu.enqueue_dma source(%dma_start3A_100 : memref<3200xi32, #tpu.memory_space<hbm>>) target(%dma_start3A_99 : memref<3200xi32, #tpu.memory_space<vmem>>) target_semaphore(%arg10 : memref<!tpu.dma_semaphore, #tpu.memory_space<semaphore_mem>>)
    %scan3A_101 = arith.constant 0 : i32
    %scan3A_102 = arith.constant 0 : i32
    %scan3A_103 = arith.constant 16 : i32
    %scan3A_104 = arith.addi %scan3A_102, %scan3A_103 : i32
    %scan3A_105 = arith.constant 1 : i32
    scf.for %scan3A_110 = %scan3A_102 to %scan3A_104 step %scan3A_105  : i32 {
      %mul3A_111 = arith.constant 2 : i32
      %mul3A_112 = arith.muli %mul3A_111, %scan3A_110 : i32
      %add3A_113 = arith.constant 1 : i32
      %add3A_114 = arith.addi %mul3A_112, %add3A_113 : i32
      %mul3A_115 = arith.constant 16 : i32
      %mul3A_116 = arith.muli %add3A_114, %mul3A_115 : i32
      %add3A_117 = arith.addi %multiple_of3A, %mul3A_116 : i32
      %mul3A_118 = arith.constant 200 : i32
      %mul3A_119 = arith.muli %add3A_117, %mul3A_118 : i32
      %multiple_of3A_120 = tpu.assume_multiple %mul3A_119, 8 : i32
      %dma_start3A_121 = arith.constant 3200 : i32
      %dma_start3A_122 = tpu.memref_slice %arg7[%dma_start3A_121] : memref<6400xi32, #tpu.memory_space<vmem>> -> memref<3200xi32, #tpu.memory_space<vmem>>
      %dma_start3A_123 = tpu.memref_slice %arg2[%multiple_of3A_120] : memref<819200xi32, #tpu.memory_space<hbm>> -> memref<3200xi32, #tpu.memory_space<hbm>>
      %dma_start3A_124 = arith.constant 3200 : i32
      %dma_start3A_125 = tpu.memref_slice %arg7[%dma_start3A_124] : memref<6400xi32, #tpu.memory_space<vmem>> -> memref<3200xi32, #tpu.memory_space<vmem>>
      %dma_start3A_126 = tpu.memref_slice %arg2[%multiple_of3A_120] : memref<819200xi32, #tpu.memory_space<hbm>> -> memref<3200xi32, #tpu.memory_space<hbm>>
      tpu.enqueue_dma source(%dma_start3A_126 : memref<3200xi32, #tpu.memory_space<hbm>>) target(%dma_start3A_125 : memref<3200xi32, #tpu.memory_space<vmem>>) target_semaphore(%arg11 : memref<!tpu.dma_semaphore, #tpu.memory_space<semaphore_mem>>)
      %dma_wait3A = arith.constant 0 : i32
      %dma_wait3A_127 = tpu.memref_slice %arg7[%dma_wait3A] : memref<6400xi32, #tpu.memory_space<vmem>> -> memref<3200xi32, #tpu.memory_space<vmem>>
      %dma_wait3A_128 = arith.constant 0 : i32
      %dma_wait3A_129 = tpu.memref_slice %arg2[%dma_wait3A_128] : memref<819200xi32, #tpu.memory_space<hbm>> -> memref<3200xi32, #tpu.memory_space<hbm>>
      %dma_wait3A_130 = arith.constant 0 : i32
      %dma_wait3A_131 = tpu.memref_slice %arg7[%dma_wait3A_130] : memref<6400xi32, #tpu.memory_space<vmem>> -> memref<3200xi32, #tpu.memory_space<vmem>>
      %dma_wait3A_132 = arith.constant 0 : i32
      %dma_wait3A_133 = tpu.memref_slice %arg2[%dma_wait3A_132] : memref<819200xi32, #tpu.memory_space<hbm>> -> memref<3200xi32, #tpu.memory_space<hbm>>
      tpu.wait_dma2 semaphore(%arg10 : memref<!tpu.dma_semaphore, #tpu.memory_space<semaphore_mem>>) src(%dma_wait3A_133 : memref<3200xi32, #tpu.memory_space<hbm>>) dst(%dma_wait3A_131 : memref<3200xi32, #tpu.memory_space<vmem>>)
      %broadcast_in_dim3A_134 = arith.constant 0 : i32
      %broadcast_in_dim3A_135 = vector.broadcast %broadcast_in_dim3A_134 : i32 to vector<16xi32>
      %add3A_136 = arith.addi %broadcast_in_dim3A_135, %mul3A_73 : vector<16xi32>
      %gather3A = tpu.vector_load_idx %arg7[%add3A_136] : memref<6400xi32, #tpu.memory_space<vmem>>[vector<16xi32>], vector<16xi32>,
      %gather3A_137 = tpu.vector_load_idx %arg5[%gather3A] : memref<100000xi32, #tpu.memory_space<vmem>>[vector<16xi32>], vector<16xi32>,
      %shift_right_logical3A = arith.shrui %gather3A, %broadcast_in_dim3A_64 : vector<16xi32>
      %gather3A_138 = tpu.vector_load_idx %arg6[%shift_right_logical3A] : memref<6272xi32, #tpu.memory_space<vmem>>[vector<16xi32>], vector<16xi32>,
      %and3A_139 = arith.andi %gather3A, %broadcast_in_dim3A_66 : vector<16xi32>
      %shift_left3A = arith.shli %and3A_139, %broadcast_in_dim3A_60 : vector<16xi32>
      %shift_right_logical3A_140 = arith.shrui %gather3A_138, %shift_left3A : vector<16xi32>
      %and3A_141 = arith.andi %shift_right_logical3A_140, %broadcast_in_dim3A_70 : vector<16xi32>
      %ne3A_142 = arith.constant 0 : i32
      %ne3A_143 = vector.broadcast %ne3A_142 : i32 to vector<16xi32>
      %ne3A_144 = arith.cmpi ne, %gather3A, %ne3A_143 : vector<16xi32>
      %broadcast_in_dim3A_145 = arith.constant 1 : i32
      %broadcast_in_dim3A_146 = vector.broadcast %broadcast_in_dim3A_145 : i32 to vector<16xi32>
      %add3A_147 = arith.addi %broadcast_in_dim3A_146, %mul3A_73 : vector<16xi32>
      %gather3A_148 = tpu.vector_load_idx %arg7[%add3A_147] : memref<6400xi32, #tpu.memory_space<vmem>>[vector<16xi32>], vector<16xi32>,
      %gather3A_149 = tpu.vector_load_idx %arg5[%gather3A_148] : memref<100000xi32, #tpu.memory_space<vmem>>[vector<16xi32>], vector<16xi32>,
      %shift_right_logical3A_150 = arith.shrui %gather3A_148, %broadcast_in_dim3A_64 : vector<16xi32>
      %gather3A_151 = tpu.vector_load_idx %arg6[%shift_right_logical3A_150] : memref<6272xi32, #tpu.memory_space<vmem>>[vector<16xi32>], vector<16xi32>,
      %and3A_152 = arith.andi %gather3A_148, %broadcast_in_dim3A_66 : vector<16xi32>
      %shift_left3A_153 = arith.shli %and3A_152, %broadcast_in_dim3A_60 : vector<16xi32>
      %shift_right_logical3A_154 = arith.shrui %gather3A_151, %shift_left3A_153 : vector<16xi32>
      %and3A_155 = arith.andi %shift_right_logical3A_154, %broadcast_in_dim3A_70 : vector<16xi32>
      %ne3A_156 = arith.constant 0 : i32
      %ne3A_157 = vector.broadcast %ne3A_156 : i32 to vector<16xi32>
      %ne3A_158 = arith.cmpi ne, %gather3A_148, %ne3A_157 : vector<16xi32>
      %scan3A_159 = arith.constant 0 : i32
      %scan3A_160 = arith.constant 28 : i32
      %scan3A_161 = arith.addi %scan3A_159, %scan3A_160 : i32
      %scan3A_162 = arith.constant 1 : i32
      %scan3A_163:15 = scf.for %scan3A_398 = %scan3A_159 to %scan3A_161 step %scan3A_162 iter_args(%scan3A_399 = %broadcast_in_dim3A_54, %scan3A_400 = %broadcast_in_dim3A_54, %scan3A_401 = %broadcast_in_dim3A_54, %scan3A_402 = %broadcast_in_dim3A_54, %scan3A_403 = %broadcast_in_dim3A_54, %scan3A_404 = %broadcast_in_dim3A_54, %scan3A_405 = %broadcast_in_dim3A_54, %scan3A_406 = %broadcast_in_dim3A_54, %scan3A_407 = %broadcast_in_dim3A_54, %scan3A_408 = %ne3A_144, %scan3A_409 = %ne3A_158, %scan3A_410 = %gather3A_137, %scan3A_411 = %gather3A_149, %scan3A_412 = %and3A_141, %scan3A_413 = %and3A_155) -> (vector<16xi32>, vector<16xi32>, vector<16xi32>, vector<16xi32>, vector<16xi32>, vector<16xi32>, vector<16xi32>, vector<16xi32>, vector<16xi32>, vector<16xi1>, vector<16xi1>, vector<16xi32>, vector<16xi32>, vector<16xi32>, vector<16xi32>)  : i32 {
        %mul3A_414 = arith.constant 7 : i32
        %mul3A_415 = arith.muli %scan3A_398, %mul3A_414 : i32
        %add3A_416 = arith.constant 0 : i32
        %add3A_417 = arith.addi %mul3A_415, %add3A_416 : i32
        %add3A_418 = arith.constant 2 : i32
        %add3A_419 = arith.addi %add3A_417, %add3A_418 : i32
        %add3A_420 = arith.constant 0 : i32
        %add3A_421 = arith.addi %add3A_420, %add3A_419 : i32
        %broadcast_in_dim3A_422 = vector.broadcast %add3A_421 : i32 to vector<16xi32>
        %add3A_423 = arith.addi %broadcast_in_dim3A_422, %mul3A_73 : vector<16xi32>
        %gather3A_424 = tpu.vector_load_idx %arg7[%add3A_423] : memref<6400xi32, #tpu.memory_space<vmem>>[vector<16xi32>], vector<16xi32>,
        %gather3A_425 = tpu.vector_load_idx %arg5[%gather3A_424] : memref<100000xi32, #tpu.memory_space<vmem>>[vector<16xi32>], vector<16xi32>,
        %shift_right_logical3A_426 = arith.shrui %gather3A_424, %broadcast_in_dim3A_64 : vector<16xi32>
        %gather3A_427 = tpu.vector_load_idx %arg6[%shift_right_logical3A_426] : memref<6272xi32, #tpu.memory_space<vmem>>[vector<16xi32>], vector<16xi32>,
        %and3A_428 = arith.andi %gather3A_424, %broadcast_in_dim3A_66 : vector<16xi32>
        %shift_left3A_429 = arith.shli %and3A_428, %broadcast_in_dim3A_60 : vector<16xi32>
        %shift_right_logical3A_430 = arith.shrui %gather3A_427, %shift_left3A_429 : vector<16xi32>
        %and3A_431 = arith.andi %shift_right_logical3A_430, %broadcast_in_dim3A_70 : vector<16xi32>
        %ne3A_432 = arith.constant 0 : i32
        %ne3A_433 = vector.broadcast %ne3A_432 : i32 to vector<16xi32>
        %ne3A_434 = arith.cmpi ne, %gather3A_424, %ne3A_433 : vector<16xi32>
        %and3A_435 = arith.andi %scan3A_408, %scan3A_409 : vector<16xi1>
        %and3A_436 = arith.andi %and3A_435, %ne3A_434 : vector<16xi1>
        %shift_left3A_437 = arith.shli %scan3A_410, %broadcast_in_dim3A_62 : vector<16xi32>
        %or3A_438 = arith.ori %shift_left3A_437, %scan3A_412 : vector<16xi32>
        %shift_left3A_439 = arith.shli %scan3A_411, %broadcast_in_dim3A_60 : vector<16xi32>
        %shift_right_logical3A_440 = arith.shrui %scan3A_413, %broadcast_in_dim3A_60 : vector<16xi32>
        %or3A_441 = arith.ori %shift_left3A_439, %shift_right_logical3A_440 : vector<16xi32>
        %xor3A_442 = arith.xori %or3A_438, %or3A_441 : vector<16xi32>
        %xor3A_443 = arith.xori %xor3A_442, %gather3A_425 : vector<16xi32>
        %select_n3A_444 = arith.select %and3A_436, %xor3A_443, %broadcast_in_dim3A_54 : vector<16xi1>, vector<16xi32>
        %and3A_445 = arith.andi %broadcast_in_dim3A_54, %select_n3A_444 : vector<16xi32>
        %xor3A_446 = arith.xori %broadcast_in_dim3A_54, %select_n3A_444 : vector<16xi32>
        %and3A_447 = arith.andi %broadcast_in_dim3A_54, %and3A_445 : vector<16xi32>
        %xor3A_448 = arith.xori %broadcast_in_dim3A_54, %and3A_445 : vector<16xi32>
        %xor3A_449 = arith.xori %broadcast_in_dim3A_54, %and3A_447 : vector<16xi32>
        %select_n3A_450 = arith.select %and3A_436, %broadcast_in_dim3A_56, %broadcast_in_dim3A_54 : vector<16xi1>, vector<16xi32>
        %add3A_451 = arith.addi %scan3A_407, %select_n3A_450 : vector<16xi32>
        %add3A_452 = arith.constant 1 : i32
        %add3A_453 = arith.addi %mul3A_415, %add3A_452 : i32
        %add3A_454 = arith.constant 2 : i32
        %add3A_455 = arith.addi %add3A_453, %add3A_454 : i32
        %add3A_456 = arith.constant 0 : i32
        %add3A_457 = arith.addi %add3A_456, %add3A_455 : i32
        %broadcast_in_dim3A_458 = vector.broadcast %add3A_457 : i32 to vector<16xi32>
        %add3A_459 = arith.addi %broadcast_in_dim3A_458, %mul3A_73 : vector<16xi32>
        %gather3A_460 = tpu.vector_load_idx %arg7[%add3A_459] : memref<6400xi32, #tpu.memory_space<vmem>>[vector<16xi32>], vector<16xi32>,
        %gather3A_461 = tpu.vector_load_idx %arg5[%gather3A_460] : memref<100000xi32, #tpu.memory_space<vmem>>[vector<16xi32>], vector<16xi32>,
        %shift_right_logical3A_462 = arith.shrui %gather3A_460, %broadcast_in_dim3A_64 : vector<16xi32>
        %gather3A_463 = tpu.vector_load_idx %arg6[%shift_right_logical3A_462] : memref<6272xi32, #tpu.memory_space<vmem>>[vector<16xi32>], vector<16xi32>,
        %and3A_464 = arith.andi %gather3A_460, %broadcast_in_dim3A_66 : vector<16xi32>
        %shift_left3A_465 = arith.shli %and3A_464, %broadcast_in_dim3A_60 : vector<16xi32>
        %shift_right_logical3A_466 = arith.shrui %gather3A_463, %shift_left3A_465 : vector<16xi32>
        %and3A_467 = arith.andi %shift_right_logical3A_466, %broadcast_in_dim3A_70 : vector<16xi32>
        %ne3A_468 = arith.constant 0 : i32
        %ne3A_469 = vector.broadcast %ne3A_468 : i32 to vector<16xi32>
        %ne3A_470 = arith.cmpi ne, %gather3A_460, %ne3A_469 : vector<16xi32>
        %and3A_471 = arith.andi %scan3A_409, %ne3A_434 : vector<16xi1>
        %and3A_472 = arith.andi %and3A_471, %ne3A_470 : vector<16xi1>
        %shift_left3A_473 = arith.shli %scan3A_411, %broadcast_in_dim3A_62 : vector<16xi32>
        %or3A_474 = arith.ori %shift_left3A_473, %scan3A_413 : vector<16xi32>
        %shift_left3A_475 = arith.shli %gather3A_425, %broadcast_in_dim3A_60 : vector<16xi32>
        %shift_right_logical3A_476 = arith.shrui %and3A_431, %broadcast_in_dim3A_60 : vector<16xi32>
        %or3A_477 = arith.ori %shift_left3A_475, %shift_right_logical3A_476 : vector<16xi32>
        %xor3A_478 = arith.xori %or3A_474, %or3A_477 : vector<16xi32>
        %xor3A_479 = arith.xori %xor3A_478, %gather3A_461 : vector<16xi32>
        %select_n3A_480 = arith.select %and3A_472, %xor3A_479, %broadcast_in_dim3A_54 : vector<16xi1>, vector<16xi32>
        %and3A_481 = arith.andi %xor3A_446, %select_n3A_480 : vector<16xi32>
        %xor3A_482 = arith.xori %xor3A_446, %select_n3A_480 : vector<16xi32>
        %and3A_483 = arith.andi %xor3A_448, %and3A_481 : vector<16xi32>
        %xor3A_484 = arith.xori %xor3A_448, %and3A_481 : vector<16xi32>
        %xor3A_485 = arith.xori %xor3A_449, %and3A_483 : vector<16xi32>
        %select_n3A_486 = arith.select %and3A_472, %broadcast_in_dim3A_56, %broadcast_in_dim3A_54 : vector<16xi1>, vector<16xi32>
        %add3A_487 = arith.addi %add3A_451, %select_n3A_486 : vector<16xi32>
        %add3A_488 = arith.constant 2 : i32
        %add3A_489 = arith.addi %mul3A_415, %add3A_488 : i32
        %add3A_490 = arith.constant 2 : i32
        %add3A_491 = arith.addi %add3A_489, %add3A_490 : i32
        %add3A_492 = arith.constant 0 : i32
        %add3A_493 = arith.addi %add3A_492, %add3A_491 : i32
        %broadcast_in_dim3A_494 = vector.broadcast %add3A_493 : i32 to vector<16xi32>
        %add3A_495 = arith.addi %broadcast_in_dim3A_494, %mul3A_73 : vector<16xi32>
        %gather3A_496 = tpu.vector_load_idx %arg7[%add3A_495] : memref<6400xi32, #tpu.memory_space<vmem>>[vector<16xi32>], vector<16xi32>,
        %gather3A_497 = tpu.vector_load_idx %arg5[%gather3A_496] : memref<100000xi32, #tpu.memory_space<vmem>>[vector<16xi32>], vector<16xi32>,
        %shift_right_logical3A_498 = arith.shrui %gather3A_496, %broadcast_in_dim3A_64 : vector<16xi32>
        %gather3A_499 = tpu.vector_load_idx %arg6[%shift_right_logical3A_498] : memref<6272xi32, #tpu.memory_space<vmem>>[vector<16xi32>], vector<16xi32>,
        %and3A_500 = arith.andi %gather3A_496, %broadcast_in_dim3A_66 : vector<16xi32>
        %shift_left3A_501 = arith.shli %and3A_500, %broadcast_in_dim3A_60 : vector<16xi32>
        %shift_right_logical3A_502 = arith.shrui %gather3A_499, %shift_left3A_501 : vector<16xi32>
        %and3A_503 = arith.andi %shift_right_logical3A_502, %broadcast_in_dim3A_70 : vector<16xi32>
        %ne3A_504 = arith.constant 0 : i32
        %ne3A_505 = vector.broadcast %ne3A_504 : i32 to vector<16xi32>
        %ne3A_506 = arith.cmpi ne, %gather3A_496, %ne3A_505 : vector<16xi32>
        %and3A_507 = arith.andi %ne3A_434, %ne3A_470 : vector<16xi1>
        %and3A_508 = arith.andi %and3A_507, %ne3A_506 : vector<16xi1>
        %shift_left3A_509 = arith.shli %gather3A_425, %broadcast_in_dim3A_62 : vector<16xi32>
        %or3A_510 = arith.ori %shift_left3A_509, %and3A_431 : vector<16xi32>
        %shift_left3A_511 = arith.shli %gather3A_461, %broadcast_in_dim3A_60 : vector<16xi32>
        %shift_right_logical3A_512 = arith.shrui %and3A_467, %broadcast_in_dim3A_60 : vector<16xi32>
        %or3A_513 = arith.ori %shift_left3A_511, %shift_right_logical3A_512 : vector<16xi32>
        %xor3A_514 = arith.xori %or3A_510, %or3A_513 : vector<16xi32>
        %xor3A_515 = arith.xori %xor3A_514, %gather3A_497 : vector<16xi32>
        %select_n3A_516 = arith.select %and3A_508, %xor3A_515, %broadcast_in_dim3A_54 : vector<16xi1>, vector<16xi32>
        %and3A_517 = arith.andi %xor3A_482, %select_n3A_516 : vector<16xi32>
        %xor3A_518 = arith.xori %xor3A_482, %select_n3A_516 : vector<16xi32>
        %and3A_519 = arith.andi %xor3A_484, %and3A_517 : vector<16xi32>
        %xor3A_520 = arith.xori %xor3A_484, %and3A_517 : vector<16xi32>
        %xor3A_521 = arith.xori %xor3A_485, %and3A_519 : vector<16xi32>
        %select_n3A_522 = arith.select %and3A_508, %broadcast_in_dim3A_56, %broadcast_in_dim3A_54 : vector<16xi1>, vector<16xi32>
        %add3A_523 = arith.addi %add3A_487, %select_n3A_522 : vector<16xi32>
        %add3A_524 = arith.constant 3 : i32
        %add3A_525 = arith.addi %mul3A_415, %add3A_524 : i32
        %add3A_526 = arith.constant 2 : i32
        %add3A_527 = arith.addi %add3A_525, %add3A_526 : i32
        %add3A_528 = arith.constant 0 : i32
        %add3A_529 = arith.addi %add3A_528, %add3A_527 : i32
        %broadcast_in_dim3A_530 = vector.broadcast %add3A_529 : i32 to vector<16xi32>
        %add3A_531 = arith.addi %broadcast_in_dim3A_530, %mul3A_73 : vector<16xi32>
        %gather3A_532 = tpu.vector_load_idx %arg7[%add3A_531] : memref<6400xi32, #tpu.memory_space<vmem>>[vector<16xi32>], vector<16xi32>,
        %gather3A_533 = tpu.vector_load_idx %arg5[%gather3A_532] : memref<100000xi32, #tpu.memory_space<vmem>>[vector<16xi32>], vector<16xi32>,
        %shift_right_logical3A_534 = arith.shrui %gather3A_532, %broadcast_in_dim3A_64 : vector<16xi32>
        %gather3A_535 = tpu.vector_load_idx %arg6[%shift_right_logical3A_534] : memref<6272xi32, #tpu.memory_space<vmem>>[vector<16xi32>], vector<16xi32>,
        %and3A_536 = arith.andi %gather3A_532, %broadcast_in_dim3A_66 : vector<16xi32>
        %shift_left3A_537 = arith.shli %and3A_536, %broadcast_in_dim3A_60 : vector<16xi32>
        %shift_right_logical3A_538 = arith.shrui %gather3A_535, %shift_left3A_537 : vector<16xi32>
        %and3A_539 = arith.andi %shift_right_logical3A_538, %broadcast_in_dim3A_70 : vector<16xi32>
        %ne3A_540 = arith.constant 0 : i32
        %ne3A_541 = vector.broadcast %ne3A_540 : i32 to vector<16xi32>
        %ne3A_542 = arith.cmpi ne, %gather3A_532, %ne3A_541 : vector<16xi32>
        %and3A_543 = arith.andi %ne3A_470, %ne3A_506 : vector<16xi1>
        %and3A_544 = arith.andi %and3A_543, %ne3A_542 : vector<16xi1>
        %shift_left3A_545 = arith.shli %gather3A_461, %broadcast_in_dim3A_62 : vector<16xi32>
        %or3A_546 = arith.ori %shift_left3A_545, %and3A_467 : vector<16xi32>
        %shift_left3A_547 = arith.shli %gather3A_497, %broadcast_in_dim3A_60 : vector<16xi32>
        %shift_right_logical3A_548 = arith.shrui %and3A_503, %broadcast_in_dim3A_60 : vector<16xi32>
        %or3A_549 = arith.ori %shift_left3A_547, %shift_right_logical3A_548 : vector<16xi32>
        %xor3A_550 = arith.xori %or3A_546, %or3A_549 : vector<16xi32>
        %xor3A_551 = arith.xori %xor3A_550, %gather3A_533 : vector<16xi32>
        %select_n3A_552 = arith.select %and3A_544, %xor3A_551, %broadcast_in_dim3A_54 : vector<16xi1>, vector<16xi32>
        %and3A_553 = arith.andi %xor3A_518, %select_n3A_552 : vector<16xi32>
        %xor3A_554 = arith.xori %xor3A_518, %select_n3A_552 : vector<16xi32>
        %and3A_555 = arith.andi %xor3A_520, %and3A_553 : vector<16xi32>
        %xor3A_556 = arith.xori %xor3A_520, %and3A_553 : vector<16xi32>
        %xor3A_557 = arith.xori %xor3A_521, %and3A_555 : vector<16xi32>
        %select_n3A_558 = arith.select %and3A_544, %broadcast_in_dim3A_56, %broadcast_in_dim3A_54 : vector<16xi1>, vector<16xi32>
        %add3A_559 = arith.addi %add3A_523, %select_n3A_558 : vector<16xi32>
        %add3A_560 = arith.constant 4 : i32
        %add3A_561 = arith.addi %mul3A_415, %add3A_560 : i32
        %add3A_562 = arith.constant 2 : i32
        %add3A_563 = arith.addi %add3A_561, %add3A_562 : i32
        %add3A_564 = arith.constant 0 : i32
        %add3A_565 = arith.addi %add3A_564, %add3A_563 : i32
        %broadcast_in_dim3A_566 = vector.broadcast %add3A_565 : i32 to vector<16xi32>
        %add3A_567 = arith.addi %broadcast_in_dim3A_566, %mul3A_73 : vector<16xi32>
        %gather3A_568 = tpu.vector_load_idx %arg7[%add3A_567] : memref<6400xi32, #tpu.memory_space<vmem>>[vector<16xi32>], vector<16xi32>,
        %gather3A_569 = tpu.vector_load_idx %arg5[%gather3A_568] : memref<100000xi32, #tpu.memory_space<vmem>>[vector<16xi32>], vector<16xi32>,
        %shift_right_logical3A_570 = arith.shrui %gather3A_568, %broadcast_in_dim3A_64 : vector<16xi32>
        %gather3A_571 = tpu.vector_load_idx %arg6[%shift_right_logical3A_570] : memref<6272xi32, #tpu.memory_space<vmem>>[vector<16xi32>], vector<16xi32>,
        %and3A_572 = arith.andi %gather3A_568, %broadcast_in_dim3A_66 : vector<16xi32>
        %shift_left3A_573 = arith.shli %and3A_572, %broadcast_in_dim3A_60 : vector<16xi32>
        %shift_right_logical3A_574 = arith.shrui %gather3A_571, %shift_left3A_573 : vector<16xi32>
        %and3A_575 = arith.andi %shift_right_logical3A_574, %broadcast_in_dim3A_70 : vector<16xi32>
        %ne3A_576 = arith.constant 0 : i32
        %ne3A_577 = vector.broadcast %ne3A_576 : i32 to vector<16xi32>
        %ne3A_578 = arith.cmpi ne, %gather3A_568, %ne3A_577 : vector<16xi32>
        %and3A_579 = arith.andi %ne3A_506, %ne3A_542 : vector<16xi1>
        %and3A_580 = arith.andi %and3A_579, %ne3A_578 : vector<16xi1>
        %shift_left3A_581 = arith.shli %gather3A_497, %broadcast_in_dim3A_62 : vector<16xi32>
        %or3A_582 = arith.ori %shift_left3A_581, %and3A_503 : vector<16xi32>
        %shift_left3A_583 = arith.shli %gather3A_533, %broadcast_in_dim3A_60 : vector<16xi32>
        %shift_right_logical3A_584 = arith.shrui %and3A_539, %broadcast_in_dim3A_60 : vector<16xi32>
        %or3A_585 = arith.ori %shift_left3A_583, %shift_right_logical3A_584 : vector<16xi32>
        %xor3A_586 = arith.xori %or3A_582, %or3A_585 : vector<16xi32>
        %xor3A_587 = arith.xori %xor3A_586, %gather3A_569 : vector<16xi32>
        %select_n3A_588 = arith.select %and3A_580, %xor3A_587, %broadcast_in_dim3A_54 : vector<16xi1>, vector<16xi32>
        %and3A_589 = arith.andi %xor3A_554, %select_n3A_588 : vector<16xi32>
        %xor3A_590 = arith.xori %xor3A_554, %select_n3A_588 : vector<16xi32>
        %and3A_591 = arith.andi %xor3A_556, %and3A_589 : vector<16xi32>
        %xor3A_592 = arith.xori %xor3A_556, %and3A_589 : vector<16xi32>
        %xor3A_593 = arith.xori %xor3A_557, %and3A_591 : vector<16xi32>
        %select_n3A_594 = arith.select %and3A_580, %broadcast_in_dim3A_56, %broadcast_in_dim3A_54 : vector<16xi1>, vector<16xi32>
        %add3A_595 = arith.addi %add3A_559, %select_n3A_594 : vector<16xi32>
        %add3A_596 = arith.constant 5 : i32
        %add3A_597 = arith.addi %mul3A_415, %add3A_596 : i32
        %add3A_598 = arith.constant 2 : i32
        %add3A_599 = arith.addi %add3A_597, %add3A_598 : i32
        %add3A_600 = arith.constant 0 : i32
        %add3A_601 = arith.addi %add3A_600, %add3A_599 : i32
        %broadcast_in_dim3A_602 = vector.broadcast %add3A_601 : i32 to vector<16xi32>
        %add3A_603 = arith.addi %broadcast_in_dim3A_602, %mul3A_73 : vector<16xi32>
        %gather3A_604 = tpu.vector_load_idx %arg7[%add3A_603] : memref<6400xi32, #tpu.memory_space<vmem>>[vector<16xi32>], vector<16xi32>,
        %gather3A_605 = tpu.vector_load_idx %arg5[%gather3A_604] : memref<100000xi32, #tpu.memory_space<vmem>>[vector<16xi32>], vector<16xi32>,
        %shift_right_logical3A_606 = arith.shrui %gather3A_604, %broadcast_in_dim3A_64 : vector<16xi32>
        %gather3A_607 = tpu.vector_load_idx %arg6[%shift_right_logical3A_606] : memref<6272xi32, #tpu.memory_space<vmem>>[vector<16xi32>], vector<16xi32>,
        %and3A_608 = arith.andi %gather3A_604, %broadcast_in_dim3A_66 : vector<16xi32>
        %shift_left3A_609 = arith.shli %and3A_608, %broadcast_in_dim3A_60 : vector<16xi32>
        %shift_right_logical3A_610 = arith.shrui %gather3A_607, %shift_left3A_609 : vector<16xi32>
        %and3A_611 = arith.andi %shift_right_logical3A_610, %broadcast_in_dim3A_70 : vector<16xi32>
        %ne3A_612 = arith.constant 0 : i32
        %ne3A_613 = vector.broadcast %ne3A_612 : i32 to vector<16xi32>
        %ne3A_614 = arith.cmpi ne, %gather3A_604, %ne3A_613 : vector<16xi32>
        %and3A_615 = arith.andi %ne3A_542, %ne3A_578 : vector<16xi1>
        %and3A_616 = arith.andi %and3A_615, %ne3A_614 : vector<16xi1>
        %shift_left3A_617 = arith.shli %gather3A_533, %broadcast_in_dim3A_62 : vector<16xi32>
        %or3A_618 = arith.ori %shift_left3A_617, %and3A_539 : vector<16xi32>
        %shift_left3A_619 = arith.shli %gather3A_569, %broadcast_in_dim3A_60 : vector<16xi32>
        %shift_right_logical3A_620 = arith.shrui %and3A_575, %broadcast_in_dim3A_60 : vector<16xi32>
        %or3A_621 = arith.ori %shift_left3A_619, %shift_right_logical3A_620 : vector<16xi32>
        %xor3A_622 = arith.xori %or3A_618, %or3A_621 : vector<16xi32>
        %xor3A_623 = arith.xori %xor3A_622, %gather3A_605 : vector<16xi32>
        %select_n3A_624 = arith.select %and3A_616, %xor3A_623, %broadcast_in_dim3A_54 : vector<16xi1>, vector<16xi32>
        %and3A_625 = arith.andi %xor3A_590, %select_n3A_624 : vector<16xi32>
        %xor3A_626 = arith.xori %xor3A_590, %select_n3A_624 : vector<16xi32>
        %and3A_627 = arith.andi %xor3A_592, %and3A_625 : vector<16xi32>
        %xor3A_628 = arith.xori %xor3A_592, %and3A_625 : vector<16xi32>
        %xor3A_629 = arith.xori %xor3A_593, %and3A_627 : vector<16xi32>
        %select_n3A_630 = arith.select %and3A_616, %broadcast_in_dim3A_56, %broadcast_in_dim3A_54 : vector<16xi1>, vector<16xi32>
        %add3A_631 = arith.addi %add3A_595, %select_n3A_630 : vector<16xi32>
        %add3A_632 = arith.constant 6 : i32
        %add3A_633 = arith.addi %mul3A_415, %add3A_632 : i32
        %add3A_634 = arith.constant 2 : i32
        %add3A_635 = arith.addi %add3A_633, %add3A_634 : i32
        %add3A_636 = arith.constant 0 : i32
        %add3A_637 = arith.addi %add3A_636, %add3A_635 : i32
        %broadcast_in_dim3A_638 = vector.broadcast %add3A_637 : i32 to vector<16xi32>
        %add3A_639 = arith.addi %broadcast_in_dim3A_638, %mul3A_73 : vector<16xi32>
        %gather3A_640 = tpu.vector_load_idx %arg7[%add3A_639] : memref<6400xi32, #tpu.memory_space<vmem>>[vector<16xi32>], vector<16xi32>,
        %gather3A_641 = tpu.vector_load_idx %arg5[%gather3A_640] : memref<100000xi32, #tpu.memory_space<vmem>>[vector<16xi32>], vector<16xi32>,
        %shift_right_logical3A_642 = arith.shrui %gather3A_640, %broadcast_in_dim3A_64 : vector<16xi32>
        %gather3A_643 = tpu.vector_load_idx %arg6[%shift_right_logical3A_642] : memref<6272xi32, #tpu.memory_space<vmem>>[vector<16xi32>], vector<16xi32>,
        %and3A_644 = arith.andi %gather3A_640, %broadcast_in_dim3A_66 : vector<16xi32>
        %shift_left3A_645 = arith.shli %and3A_644, %broadcast_in_dim3A_60 : vector<16xi32>
        %shift_right_logical3A_646 = arith.shrui %gather3A_643, %shift_left3A_645 : vector<16xi32>
        %and3A_647 = arith.andi %shift_right_logical3A_646, %broadcast_in_dim3A_70 : vector<16xi32>
        %ne3A_648 = arith.constant 0 : i32
        %ne3A_649 = vector.broadcast %ne3A_648 : i32 to vector<16xi32>
        %ne3A_650 = arith.cmpi ne, %gather3A_640, %ne3A_649 : vector<16xi32>
        %and3A_651 = arith.andi %ne3A_578, %ne3A_614 : vector<16xi1>
        %and3A_652 = arith.andi %and3A_651, %ne3A_650 : vector<16xi1>
        %shift_left3A_653 = arith.shli %gather3A_569, %broadcast_in_dim3A_62 : vector<16xi32>
        %or3A_654 = arith.ori %shift_left3A_653, %and3A_575 : vector<16xi32>
        %shift_left3A_655 = arith.shli %gather3A_605, %broadcast_in_dim3A_60 : vector<16xi32>
        %shift_right_logical3A_656 = arith.shrui %and3A_611, %broadcast_in_dim3A_60 : vector<16xi32>
        %or3A_657 = arith.ori %shift_left3A_655, %shift_right_logical3A_656 : vector<16xi32>
        %xor3A_658 = arith.xori %or3A_654, %or3A_657 : vector<16xi32>
        %xor3A_659 = arith.xori %xor3A_658, %gather3A_641 : vector<16xi32>
        %select_n3A_660 = arith.select %and3A_652, %xor3A_659, %broadcast_in_dim3A_54 : vector<16xi1>, vector<16xi32>
        %and3A_661 = arith.andi %xor3A_626, %select_n3A_660 : vector<16xi32>
        %xor3A_662 = arith.xori %xor3A_626, %select_n3A_660 : vector<16xi32>
        %and3A_663 = arith.andi %xor3A_628, %and3A_661 : vector<16xi32>
        %xor3A_664 = arith.xori %xor3A_628, %and3A_661 : vector<16xi32>
        %xor3A_665 = arith.xori %xor3A_629, %and3A_663 : vector<16xi32>
        %select_n3A_666 = arith.select %and3A_652, %broadcast_in_dim3A_56, %broadcast_in_dim3A_54 : vector<16xi1>, vector<16xi32>
        %add3A_667 = arith.addi %add3A_631, %select_n3A_666 : vector<16xi32>
        %and3A_668 = arith.andi %scan3A_399, %xor3A_662 : vector<16xi32>
        %xor3A_669 = arith.xori %scan3A_399, %xor3A_662 : vector<16xi32>
        %xor3A_670 = arith.xori %scan3A_400, %xor3A_664 : vector<16xi32>
        %and3A_671 = arith.andi %scan3A_400, %xor3A_664 : vector<16xi32>
        %and3A_672 = arith.andi %xor3A_670, %and3A_668 : vector<16xi32>
        %or3A_673 = arith.ori %and3A_671, %and3A_672 : vector<16xi32>
        %xor3A_674 = arith.xori %xor3A_670, %and3A_668 : vector<16xi32>
        %xor3A_675 = arith.xori %scan3A_401, %xor3A_665 : vector<16xi32>
        %and3A_676 = arith.andi %scan3A_401, %xor3A_665 : vector<16xi32>
        %and3A_677 = arith.andi %xor3A_675, %or3A_673 : vector<16xi32>
        %or3A_678 = arith.ori %and3A_676, %and3A_677 : vector<16xi32>
        %xor3A_679 = arith.xori %xor3A_675, %or3A_673 : vector<16xi32>
        %xor3A_680 = arith.xori %scan3A_402, %or3A_678 : vector<16xi32>
        %and3A_681 = arith.andi %scan3A_402, %or3A_678 : vector<16xi32>
        %xor3A_682 = arith.xori %scan3A_403, %and3A_681 : vector<16xi32>
        %and3A_683 = arith.andi %scan3A_403, %and3A_681 : vector<16xi32>
        %xor3A_684 = arith.xori %scan3A_404, %and3A_683 : vector<16xi32>
        %and3A_685 = arith.andi %scan3A_404, %and3A_683 : vector<16xi32>
        %xor3A_686 = arith.xori %scan3A_405, %and3A_685 : vector<16xi32>
        %and3A_687 = arith.andi %scan3A_405, %and3A_685 : vector<16xi32>
        %xor3A_688 = arith.xori %scan3A_406, %and3A_687 : vector<16xi32>
        %and3A_689 = arith.andi %scan3A_406, %and3A_687 : vector<16xi32>
        scf.yield %xor3A_669, %xor3A_674, %xor3A_679, %xor3A_680, %xor3A_682, %xor3A_684, %xor3A_686, %xor3A_688, %add3A_667, %ne3A_614, %ne3A_650, %gather3A_605, %gather3A_641, %and3A_611, %and3A_647 : vector<16xi32>, vector<16xi32>, vector<16xi32>, vector<16xi32>, vector<16xi32>, vector<16xi32>, vector<16xi32>, vector<16xi32>, vector<16xi32>, vector<16xi1>, vector<16xi1>, vector<16xi32>, vector<16xi32>, vector<16xi32>, vector<16xi32>
      }
      %scan3A_164 = arith.constant 28 : i32
      %broadcast_in_dim3A_165 = arith.constant 198 : i32
      %broadcast_in_dim3A_166 = vector.broadcast %broadcast_in_dim3A_165 : i32 to vector<16xi32>
      %add3A_167 = arith.addi %broadcast_in_dim3A_166, %mul3A_73 : vector<16xi32>
      %gather3A_168 = tpu.vector_load_idx %arg7[%add3A_167] : memref<6400xi32, #tpu.memory_space<vmem>>[vector<16xi32>], vector<16xi32>,
      %gather3A_169 = tpu.vector_load_idx %arg5[%gather3A_168] : memref<100000xi32, #tpu.memory_space<vmem>>[vector<16xi32>], vector<16xi32>,
      %shift_right_logical3A_170 = arith.shrui %gather3A_168, %broadcast_in_dim3A_64 : vector<16xi32>
      %gather3A_171 = tpu.vector_load_idx %arg6[%shift_right_logical3A_170] : memref<6272xi32, #tpu.memory_space<vmem>>[vector<16xi32>], vector<16xi32>,
      %and3A_172 = arith.andi %gather3A_168, %broadcast_in_dim3A_66 : vector<16xi32>
      %shift_left3A_173 = arith.shli %and3A_172, %broadcast_in_dim3A_60 : vector<16xi32>
      %shift_right_logical3A_174 = arith.shrui %gather3A_171, %shift_left3A_173 : vector<16xi32>
      %and3A_175 = arith.andi %shift_right_logical3A_174, %broadcast_in_dim3A_70 : vector<16xi32>
      %ne3A_176 = arith.constant 0 : i32
      %ne3A_177 = vector.broadcast %ne3A_176 : i32 to vector<16xi32>
      %ne3A_178 = arith.cmpi ne, %gather3A_168, %ne3A_177 : vector<16xi32>
      %and3A_179 = arith.andi %scan3A_163#9, %scan3A_163#10 : vector<16xi1>
      %and3A_180 = arith.andi %and3A_179, %ne3A_178 : vector<16xi1>
      %shift_left3A_181 = arith.shli %scan3A_163#11, %broadcast_in_dim3A_62 : vector<16xi32>
      %or3A = arith.ori %shift_left3A_181, %scan3A_163#13 : vector<16xi32>
      %shift_left3A_182 = arith.shli %scan3A_163#12, %broadcast_in_dim3A_60 : vector<16xi32>
      %shift_right_logical3A_183 = arith.shrui %scan3A_163#14, %broadcast_in_dim3A_60 : vector<16xi32>
      %or3A_184 = arith.ori %shift_left3A_182, %shift_right_logical3A_183 : vector<16xi32>
      %xor3A = arith.xori %or3A, %or3A_184 : vector<16xi32>
      %xor3A_185 = arith.xori %xor3A, %gather3A_169 : vector<16xi32>
      %select_n3A_186 = arith.select %and3A_180, %xor3A_185, %broadcast_in_dim3A_54 : vector<16xi1>, vector<16xi32>
      %and3A_187 = arith.andi %broadcast_in_dim3A_54, %select_n3A_186 : vector<16xi32>
      %xor3A_188 = arith.xori %broadcast_in_dim3A_54, %select_n3A_186 : vector<16xi32>
      %and3A_189 = arith.andi %broadcast_in_dim3A_54, %and3A_187 : vector<16xi32>
      %xor3A_190 = arith.xori %broadcast_in_dim3A_54, %and3A_187 : vector<16xi32>
      %xor3A_191 = arith.xori %broadcast_in_dim3A_54, %and3A_189 : vector<16xi32>
      %select_n3A_192 = arith.select %and3A_180, %broadcast_in_dim3A_56, %broadcast_in_dim3A_54 : vector<16xi1>, vector<16xi32>
      %add3A_193 = arith.addi %scan3A_163#8, %select_n3A_192 : vector<16xi32>
      %broadcast_in_dim3A_194 = arith.constant 199 : i32
      %broadcast_in_dim3A_195 = vector.broadcast %broadcast_in_dim3A_194 : i32 to vector<16xi32>
      %add3A_196 = arith.addi %broadcast_in_dim3A_195, %mul3A_73 : vector<16xi32>
      %gather3A_197 = tpu.vector_load_idx %arg7[%add3A_196] : memref<6400xi32, #tpu.memory_space<vmem>>[vector<16xi32>], vector<16xi32>,
      %gather3A_198 = tpu.vector_load_idx %arg5[%gather3A_197] : memref<100000xi32, #tpu.memory_space<vmem>>[vector<16xi32>], vector<16xi32>,
      %shift_right_logical3A_199 = arith.shrui %gather3A_197, %broadcast_in_dim3A_64 : vector<16xi32>
      %gather3A_200 = tpu.vector_load_idx %arg6[%shift_right_logical3A_199] : memref<6272xi32, #tpu.memory_space<vmem>>[vector<16xi32>], vector<16xi32>,
      %and3A_201 = arith.andi %gather3A_197, %broadcast_in_dim3A_66 : vector<16xi32>
      %shift_left3A_202 = arith.shli %and3A_201, %broadcast_in_dim3A_60 : vector<16xi32>
      %shift_right_logical3A_203 = arith.shrui %gather3A_200, %shift_left3A_202 : vector<16xi32>
      %and3A_204 = arith.andi %shift_right_logical3A_203, %broadcast_in_dim3A_70 : vector<16xi32>
      %ne3A_205 = arith.constant 0 : i32
      %ne3A_206 = vector.broadcast %ne3A_205 : i32 to vector<16xi32>
      %ne3A_207 = arith.cmpi ne, %gather3A_197, %ne3A_206 : vector<16xi32>
      %and3A_208 = arith.andi %scan3A_163#10, %ne3A_178 : vector<16xi1>
      %and3A_209 = arith.andi %and3A_208, %ne3A_207 : vector<16xi1>
      %shift_left3A_210 = arith.shli %scan3A_163#12, %broadcast_in_dim3A_62 : vector<16xi32>
      %or3A_211 = arith.ori %shift_left3A_210, %scan3A_163#14 : vector<16xi32>
      %shift_left3A_212 = arith.shli %gather3A_169, %broadcast_in_dim3A_60 : vector<16xi32>
      %shift_right_logical3A_213 = arith.shrui %and3A_175, %broadcast_in_dim3A_60 : vector<16xi32>
      %or3A_214 = arith.ori %shift_left3A_212, %shift_right_logical3A_213 : vector<16xi32>
      %xor3A_215 = arith.xori %or3A_211, %or3A_214 : vector<16xi32>
      %xor3A_216 = arith.xori %xor3A_215, %gather3A_198 : vector<16xi32>
      %select_n3A_217 = arith.select %and3A_209, %xor3A_216, %broadcast_in_dim3A_54 : vector<16xi1>, vector<16xi32>
      %and3A_218 = arith.andi %xor3A_188, %select_n3A_217 : vector<16xi32>
      %xor3A_219 = arith.xori %xor3A_188, %select_n3A_217 : vector<16xi32>
      %and3A_220 = arith.andi %xor3A_190, %and3A_218 : vector<16xi32>
      %xor3A_221 = arith.xori %xor3A_190, %and3A_218 : vector<16xi32>
      %xor3A_222 = arith.xori %xor3A_191, %and3A_220 : vector<16xi32>
      %select_n3A_223 = arith.select %and3A_209, %broadcast_in_dim3A_56, %broadcast_in_dim3A_54 : vector<16xi1>, vector<16xi32>
      %add3A_224 = arith.addi %add3A_193, %select_n3A_223 : vector<16xi32>
      %and3A_225 = arith.andi %scan3A_163#0, %xor3A_219 : vector<16xi32>
      %xor3A_226 = arith.xori %scan3A_163#0, %xor3A_219 : vector<16xi32>
      %xor3A_227 = arith.xori %scan3A_163#1, %xor3A_221 : vector<16xi32>
      %and3A_228 = arith.andi %scan3A_163#1, %xor3A_221 : vector<16xi32>
      %and3A_229 = arith.andi %xor3A_227, %and3A_225 : vector<16xi32>
      %or3A_230 = arith.ori %and3A_228, %and3A_229 : vector<16xi32>
      %xor3A_231 = arith.xori %xor3A_227, %and3A_225 : vector<16xi32>
      %xor3A_232 = arith.xori %scan3A_163#2, %xor3A_222 : vector<16xi32>
      %and3A_233 = arith.andi %scan3A_163#2, %xor3A_222 : vector<16xi32>
      %and3A_234 = arith.andi %xor3A_232, %or3A_230 : vector<16xi32>
      %or3A_235 = arith.ori %and3A_233, %and3A_234 : vector<16xi32>
      %xor3A_236 = arith.xori %xor3A_232, %or3A_230 : vector<16xi32>
      %xor3A_237 = arith.xori %scan3A_163#3, %or3A_235 : vector<16xi32>
      %and3A_238 = arith.andi %scan3A_163#3, %or3A_235 : vector<16xi32>
      %xor3A_239 = arith.xori %scan3A_163#4, %and3A_238 : vector<16xi32>
      %and3A_240 = arith.andi %scan3A_163#4, %and3A_238 : vector<16xi32>
      %xor3A_241 = arith.xori %scan3A_163#5, %and3A_240 : vector<16xi32>
      %and3A_242 = arith.andi %scan3A_163#5, %and3A_240 : vector<16xi32>
      %xor3A_243 = arith.xori %scan3A_163#6, %and3A_242 : vector<16xi32>
      %and3A_244 = arith.andi %scan3A_163#6, %and3A_242 : vector<16xi32>
      %xor3A_245 = arith.xori %scan3A_163#7, %and3A_244 : vector<16xi32>
      %and3A_246 = arith.andi %scan3A_163#7, %and3A_244 : vector<16xi32>
      %mul3A_247 = arith.constant 16 : i32
      %mul3A_248 = arith.muli %mul3A_112, %mul3A_247 : i32
      %broadcast_in_dim3A_249 = vector.broadcast %mul3A_248 : i32 to vector<16xi32>
      %add3A_250 = arith.addi %broadcast_in_dim3A_249, %iota3A : vector<16xi32>
      %scan3A_251 = arith.constant 0 : i32
      %scan3A_252 = arith.constant 0 : i32
      %scan3A_253 = arith.constant 32 : i32
      %scan3A_254 = arith.addi %scan3A_252, %scan3A_253 : i32
      %scan3A_255 = arith.constant 1 : i32
      scf.for %scan3A_398 = %scan3A_252 to %scan3A_254 step %scan3A_255  : i32 {
        %broadcast_in_dim3A_399 = vector.broadcast %scan3A_398 : i32 to vector<16xi32>
        %shift_right_logical3A_400 = arith.shrui %xor3A_226, %broadcast_in_dim3A_399 : vector<16xi32>
        %and3A_401 = arith.andi %shift_right_logical3A_400, %broadcast_in_dim3A_56 : vector<16xi32>
        %shift_right_logical3A_402 = arith.shrui %xor3A_231, %broadcast_in_dim3A_399 : vector<16xi32>
        %and3A_403 = arith.andi %shift_right_logical3A_402, %broadcast_in_dim3A_56 : vector<16xi32>
        %broadcast_in_dim3A_404 = arith.constant 1 : i32
        %broadcast_in_dim3A_405 = vector.broadcast %broadcast_in_dim3A_404 : i32 to vector<16xi32>
        %shift_left3A_406 = arith.shli %and3A_403, %broadcast_in_dim3A_405 : vector<16xi32>
        %or3A_407 = arith.ori %and3A_401, %shift_left3A_406 : vector<16xi32>
        %shift_right_logical3A_408 = arith.shrui %xor3A_236, %broadcast_in_dim3A_399 : vector<16xi32>
        %and3A_409 = arith.andi %shift_right_logical3A_408, %broadcast_in_dim3A_56 : vector<16xi32>
        %broadcast_in_dim3A_410 = arith.constant 2 : i32
        %broadcast_in_dim3A_411 = vector.broadcast %broadcast_in_dim3A_410 : i32 to vector<16xi32>
        %shift_left3A_412 = arith.shli %and3A_409, %broadcast_in_dim3A_411 : vector<16xi32>
        %or3A_413 = arith.ori %or3A_407, %shift_left3A_412 : vector<16xi32>
        %shift_right_logical3A_414 = arith.shrui %xor3A_237, %broadcast_in_dim3A_399 : vector<16xi32>
        %and3A_415 = arith.andi %shift_right_logical3A_414, %broadcast_in_dim3A_56 : vector<16xi32>
        %broadcast_in_dim3A_416 = arith.constant 3 : i32
        %broadcast_in_dim3A_417 = vector.broadcast %broadcast_in_dim3A_416 : i32 to vector<16xi32>
        %shift_left3A_418 = arith.shli %and3A_415, %broadcast_in_dim3A_417 : vector<16xi32>
        %or3A_419 = arith.ori %or3A_413, %shift_left3A_418 : vector<16xi32>
        %shift_right_logical3A_420 = arith.shrui %xor3A_239, %broadcast_in_dim3A_399 : vector<16xi32>
        %and3A_421 = arith.andi %shift_right_logical3A_420, %broadcast_in_dim3A_56 : vector<16xi32>
        %broadcast_in_dim3A_422 = arith.constant 4 : i32
        %broadcast_in_dim3A_423 = vector.broadcast %broadcast_in_dim3A_422 : i32 to vector<16xi32>
        %shift_left3A_424 = arith.shli %and3A_421, %broadcast_in_dim3A_423 : vector<16xi32>
        %or3A_425 = arith.ori %or3A_419, %shift_left3A_424 : vector<16xi32>
        %shift_right_logical3A_426 = arith.shrui %xor3A_241, %broadcast_in_dim3A_399 : vector<16xi32>
        %and3A_427 = arith.andi %shift_right_logical3A_426, %broadcast_in_dim3A_56 : vector<16xi32>
        %broadcast_in_dim3A_428 = arith.constant 5 : i32
        %broadcast_in_dim3A_429 = vector.broadcast %broadcast_in_dim3A_428 : i32 to vector<16xi32>
        %shift_left3A_430 = arith.shli %and3A_427, %broadcast_in_dim3A_429 : vector<16xi32>
        %or3A_431 = arith.ori %or3A_425, %shift_left3A_430 : vector<16xi32>
        %shift_right_logical3A_432 = arith.shrui %xor3A_243, %broadcast_in_dim3A_399 : vector<16xi32>
        %and3A_433 = arith.andi %shift_right_logical3A_432, %broadcast_in_dim3A_56 : vector<16xi32>
        %broadcast_in_dim3A_434 = arith.constant 6 : i32
        %broadcast_in_dim3A_435 = vector.broadcast %broadcast_in_dim3A_434 : i32 to vector<16xi32>
        %shift_left3A_436 = arith.shli %and3A_433, %broadcast_in_dim3A_435 : vector<16xi32>
        %or3A_437 = arith.ori %or3A_431, %shift_left3A_436 : vector<16xi32>
        %shift_right_logical3A_438 = arith.shrui %xor3A_245, %broadcast_in_dim3A_399 : vector<16xi32>
        %and3A_439 = arith.andi %shift_right_logical3A_438, %broadcast_in_dim3A_56 : vector<16xi32>
        %broadcast_in_dim3A_440 = arith.constant 7 : i32
        %broadcast_in_dim3A_441 = vector.broadcast %broadcast_in_dim3A_440 : i32 to vector<16xi32>
        %shift_left3A_442 = arith.shli %and3A_439, %broadcast_in_dim3A_441 : vector<16xi32>
        %or3A_443 = arith.ori %or3A_437, %shift_left3A_442 : vector<16xi32>
        %add3A_444 = arith.addi %or3A_443, %or3A_443 : vector<16xi32>
        %lt3A_445 = arith.cmpi slt, %add3A_444, %add3A_224 : vector<16xi32>
        %neg3A = arith.constant 0.000000e+00 : f32
        %neg3A_446 = vector.broadcast %neg3A : f32 to vector<16xf32>
        %neg3A_447 = arith.subf %neg3A_446, %broadcast_in_dim3A_58 : vector<16xf32>
        %select_n3A_448 = arith.select %lt3A_445, %broadcast_in_dim3A_58, %neg3A_447 : vector<16xi1>, vector<16xf32>
        tpu.vector_store_idx %arg8[%broadcast_in_dim3A_399, %add3A_250], %select_n3A_448 : memref<32x512xf32, #tpu.memory_space<vmem>>[vector<16xi32>, vector<16xi32>], vector<16xf32>,
      }
      %scan3A_256 = arith.constant 32 : i32
      %lt3A_257 = arith.constant 15 : i32
      %lt3A_258 = arith.cmpi slt, %scan3A_110, %lt3A_257 : i32
      %convert_element_type3A = arith.extui %lt3A_258 : i1 to i32
      %cond3A = arith.constant 0 : i32
      %cond3A_259 = arith.cmpi ne, %convert_element_type3A, %cond3A : i32
      scf.if %cond3A_259 {
        %add3A_398 = arith.constant 2 : i32
        %add3A_399 = arith.addi %mul3A_112, %add3A_398 : i32
        %mul3A_400 = arith.constant 16 : i32
        %mul3A_401 = arith.muli %add3A_399, %mul3A_400 : i32
        %add3A_402 = arith.addi %multiple_of3A, %mul3A_401 : i32
        %mul3A_403 = arith.constant 200 : i32
        %mul3A_404 = arith.muli %add3A_402, %mul3A_403 : i32
        %multiple_of3A_405 = tpu.assume_multiple %mul3A_404, 8 : i32
        %dma_start3A_406 = arith.constant 0 : i32
        %dma_start3A_407 = tpu.memref_slice %arg7[%dma_start3A_406] : memref<6400xi32, #tpu.memory_space<vmem>> -> memref<3200xi32, #tpu.memory_space<vmem>>
        %dma_start3A_408 = tpu.memref_slice %arg2[%multiple_of3A_405] : memref<819200xi32, #tpu.memory_space<hbm>> -> memref<3200xi32, #tpu.memory_space<hbm>>
        %dma_start3A_409 = arith.constant 0 : i32
        %dma_start3A_410 = tpu.memref_slice %arg7[%dma_start3A_409] : memref<6400xi32, #tpu.memory_space<vmem>> -> memref<3200xi32, #tpu.memory_space<vmem>>
        %dma_start3A_411 = tpu.memref_slice %arg2[%multiple_of3A_405] : memref<819200xi32, #tpu.memory_space<hbm>> -> memref<3200xi32, #tpu.memory_space<hbm>>
        tpu.enqueue_dma source(%dma_start3A_411 : memref<3200xi32, #tpu.memory_space<hbm>>) target(%dma_start3A_410 : memref<3200xi32, #tpu.memory_space<vmem>>) target_semaphore(%arg10 : memref<!tpu.dma_semaphore, #tpu.memory_space<semaphore_mem>>)
      } else {
      }
      %dma_wait3A_260 = arith.constant 3200 : i32
      %dma_wait3A_261 = tpu.memref_slice %arg7[%dma_wait3A_260] : memref<6400xi32, #tpu.memory_space<vmem>> -> memref<3200xi32, #tpu.memory_space<vmem>>
      %dma_wait3A_262 = arith.constant 0 : i32
      %dma_wait3A_263 = tpu.memref_slice %arg2[%dma_wait3A_262] : memref<819200xi32, #tpu.memory_space<hbm>> -> memref<3200xi32, #tpu.memory_space<hbm>>
      %dma_wait3A_264 = arith.constant 3200 : i32
      %dma_wait3A_265 = tpu.memref_slice %arg7[%dma_wait3A_264] : memref<6400xi32, #tpu.memory_space<vmem>> -> memref<3200xi32, #tpu.memory_space<vmem>>
      %dma_wait3A_266 = arith.constant 0 : i32
      %dma_wait3A_267 = tpu.memref_slice %arg2[%dma_wait3A_266] : memref<819200xi32, #tpu.memory_space<hbm>> -> memref<3200xi32, #tpu.memory_space<hbm>>
      tpu.wait_dma2 semaphore(%arg11 : memref<!tpu.dma_semaphore, #tpu.memory_space<semaphore_mem>>) src(%dma_wait3A_267 : memref<3200xi32, #tpu.memory_space<hbm>>) dst(%dma_wait3A_265 : memref<3200xi32, #tpu.memory_space<vmem>>)
      %add3A_268 = arith.constant 1 : i32
      %add3A_269 = arith.addi %mul3A_112, %add3A_268 : i32
      %broadcast_in_dim3A_270 = arith.constant 3200 : i32
      %broadcast_in_dim3A_271 = vector.broadcast %broadcast_in_dim3A_270 : i32 to vector<16xi32>
      %add3A_272 = arith.addi %broadcast_in_dim3A_271, %mul3A_73 : vector<16xi32>
      %gather3A_273 = tpu.vector_load_idx %arg7[%add3A_272] : memref<6400xi32, #tpu.memory_space<vmem>>[vector<16xi32>], vector<16xi32>,
      %gather3A_274 = tpu.vector_load_idx %arg5[%gather3A_273] : memref<100000xi32, #tpu.memory_space<vmem>>[vector<16xi32>], vector<16xi32>,
      %shift_right_logical3A_275 = arith.shrui %gather3A_273, %broadcast_in_dim3A_64 : vector<16xi32>
      %gather3A_276 = tpu.vector_load_idx %arg6[%shift_right_logical3A_275] : memref<6272xi32, #tpu.memory_space<vmem>>[vector<16xi32>], vector<16xi32>,
      %and3A_277 = arith.andi %gather3A_273, %broadcast_in_dim3A_66 : vector<16xi32>
      %shift_left3A_278 = arith.shli %and3A_277, %broadcast_in_dim3A_60 : vector<16xi32>
      %shift_right_logical3A_279 = arith.shrui %gather3A_276, %shift_left3A_278 : vector<16xi32>
      %and3A_280 = arith.andi %shift_right_logical3A_279, %broadcast_in_dim3A_70 : vector<16xi32>
      %ne3A_281 = arith.constant 0 : i32
      %ne3A_282 = vector.broadcast %ne3A_281 : i32 to vector<16xi32>
      %ne3A_283 = arith.cmpi ne, %gather3A_273, %ne3A_282 : vector<16xi32>
      %broadcast_in_dim3A_284 = arith.constant 3201 : i32
      %broadcast_in_dim3A_285 = vector.broadcast %broadcast_in_dim3A_284 : i32 to vector<16xi32>
      %add3A_286 = arith.addi %broadcast_in_dim3A_285, %mul3A_73 : vector<16xi32>
      %gather3A_287 = tpu.vector_load_idx %arg7[%add3A_286] : memref<6400xi32, #tpu.memory_space<vmem>>[vector<16xi32>], vector<16xi32>,
      %gather3A_288 = tpu.vector_load_idx %arg5[%gather3A_287] : memref<100000xi32, #tpu.memory_space<vmem>>[vector<16xi32>], vector<16xi32>,
      %shift_right_logical3A_289 = arith.shrui %gather3A_287, %broadcast_in_dim3A_64 : vector<16xi32>
      %gather3A_290 = tpu.vector_load_idx %arg6[%shift_right_logical3A_289] : memref<6272xi32, #tpu.memory_space<vmem>>[vector<16xi32>], vector<16xi32>,
      %and3A_291 = arith.andi %gather3A_287, %broadcast_in_dim3A_66 : vector<16xi32>
      %shift_left3A_292 = arith.shli %and3A_291, %broadcast_in_dim3A_60 : vector<16xi32>
      %shift_right_logical3A_293 = arith.shrui %gather3A_290, %shift_left3A_292 : vector<16xi32>
      %and3A_294 = arith.andi %shift_right_logical3A_293, %broadcast_in_dim3A_70 : vector<16xi32>
      %ne3A_295 = arith.constant 0 : i32
      %ne3A_296 = vector.broadcast %ne3A_295 : i32 to vector<16xi32>
      %ne3A_297 = arith.cmpi ne, %gather3A_287, %ne3A_296 : vector<16xi32>
      %scan3A_298 = arith.constant 0 : i32
      %scan3A_299 = arith.constant 28 : i32
      %scan3A_300 = arith.addi %scan3A_298, %scan3A_299 : i32
      %scan3A_301 = arith.constant 1 : i32
      %scan3A_302:15 = scf.for %scan3A_398 = %scan3A_298 to %scan3A_300 step %scan3A_301 iter_args(%scan3A_399 = %broadcast_in_dim3A_54, %scan3A_400 = %broadcast_in_dim3A_54, %scan3A_401 = %broadcast_in_dim3A_54, %scan3A_402 = %broadcast_in_dim3A_54, %scan3A_403 = %broadcast_in_dim3A_54, %scan3A_404 = %broadcast_in_dim3A_54, %scan3A_405 = %broadcast_in_dim3A_54, %scan3A_406 = %broadcast_in_dim3A_54, %scan3A_407 = %broadcast_in_dim3A_54, %scan3A_408 = %ne3A_283, %scan3A_409 = %ne3A_297, %scan3A_410 = %gather3A_274, %scan3A_411 = %gather3A_288, %scan3A_412 = %and3A_280, %scan3A_413 = %and3A_294) -> (vector<16xi32>, vector<16xi32>, vector<16xi32>, vector<16xi32>, vector<16xi32>, vector<16xi32>, vector<16xi32>, vector<16xi32>, vector<16xi32>, vector<16xi1>, vector<16xi1>, vector<16xi32>, vector<16xi32>, vector<16xi32>, vector<16xi32>)  : i32 {
        %mul3A_414 = arith.constant 7 : i32
        %mul3A_415 = arith.muli %scan3A_398, %mul3A_414 : i32
        %add3A_416 = arith.constant 0 : i32
        %add3A_417 = arith.addi %mul3A_415, %add3A_416 : i32
        %add3A_418 = arith.constant 2 : i32
        %add3A_419 = arith.addi %add3A_417, %add3A_418 : i32
        %add3A_420 = arith.constant 3200 : i32
        %add3A_421 = arith.addi %add3A_420, %add3A_419 : i32
        %broadcast_in_dim3A_422 = vector.broadcast %add3A_421 : i32 to vector<16xi32>
        %add3A_423 = arith.addi %broadcast_in_dim3A_422, %mul3A_73 : vector<16xi32>
        %gather3A_424 = tpu.vector_load_idx %arg7[%add3A_423] : memref<6400xi32, #tpu.memory_space<vmem>>[vector<16xi32>], vector<16xi32>,
        %gather3A_425 = tpu.vector_load_idx %arg5[%gather3A_424] : memref<100000xi32, #tpu.memory_space<vmem>>[vector<16xi32>], vector<16xi32>,
        %shift_right_logical3A_426 = arith.shrui %gather3A_424, %broadcast_in_dim3A_64 : vector<16xi32>
        %gather3A_427 = tpu.vector_load_idx %arg6[%shift_right_logical3A_426] : memref<6272xi32, #tpu.memory_space<vmem>>[vector<16xi32>], vector<16xi32>,
        %and3A_428 = arith.andi %gather3A_424, %broadcast_in_dim3A_66 : vector<16xi32>
        %shift_left3A_429 = arith.shli %and3A_428, %broadcast_in_dim3A_60 : vector<16xi32>
        %shift_right_logical3A_430 = arith.shrui %gather3A_427, %shift_left3A_429 : vector<16xi32>
        %and3A_431 = arith.andi %shift_right_logical3A_430, %broadcast_in_dim3A_70 : vector<16xi32>
        %ne3A_432 = arith.constant 0 : i32
        %ne3A_433 = vector.broadcast %ne3A_432 : i32 to vector<16xi32>
        %ne3A_434 = arith.cmpi ne, %gather3A_424, %ne3A_433 : vector<16xi32>
        %and3A_435 = arith.andi %scan3A_408, %scan3A_409 : vector<16xi1>
        %and3A_436 = arith.andi %and3A_435, %ne3A_434 : vector<16xi1>
        %shift_left3A_437 = arith.shli %scan3A_410, %broadcast_in_dim3A_62 : vector<16xi32>
        %or3A_438 = arith.ori %shift_left3A_437, %scan3A_412 : vector<16xi32>
        %shift_left3A_439 = arith.shli %scan3A_411, %broadcast_in_dim3A_60 : vector<16xi32>
        %shift_right_logical3A_440 = arith.shrui %scan3A_413, %broadcast_in_dim3A_60 : vector<16xi32>
        %or3A_441 = arith.ori %shift_left3A_439, %shift_right_logical3A_440 : vector<16xi32>
        %xor3A_442 = arith.xori %or3A_438, %or3A_441 : vector<16xi32>
        %xor3A_443 = arith.xori %xor3A_442, %gather3A_425 : vector<16xi32>
        %select_n3A_444 = arith.select %and3A_436, %xor3A_443, %broadcast_in_dim3A_54 : vector<16xi1>, vector<16xi32>
        %and3A_445 = arith.andi %broadcast_in_dim3A_54, %select_n3A_444 : vector<16xi32>
        %xor3A_446 = arith.xori %broadcast_in_dim3A_54, %select_n3A_444 : vector<16xi32>
        %and3A_447 = arith.andi %broadcast_in_dim3A_54, %and3A_445 : vector<16xi32>
        %xor3A_448 = arith.xori %broadcast_in_dim3A_54, %and3A_445 : vector<16xi32>
        %xor3A_449 = arith.xori %broadcast_in_dim3A_54, %and3A_447 : vector<16xi32>
        %select_n3A_450 = arith.select %and3A_436, %broadcast_in_dim3A_56, %broadcast_in_dim3A_54 : vector<16xi1>, vector<16xi32>
        %add3A_451 = arith.addi %scan3A_407, %select_n3A_450 : vector<16xi32>
        %add3A_452 = arith.constant 1 : i32
        %add3A_453 = arith.addi %mul3A_415, %add3A_452 : i32
        %add3A_454 = arith.constant 2 : i32
        %add3A_455 = arith.addi %add3A_453, %add3A_454 : i32
        %add3A_456 = arith.constant 3200 : i32
        %add3A_457 = arith.addi %add3A_456, %add3A_455 : i32
        %broadcast_in_dim3A_458 = vector.broadcast %add3A_457 : i32 to vector<16xi32>
        %add3A_459 = arith.addi %broadcast_in_dim3A_458, %mul3A_73 : vector<16xi32>
        %gather3A_460 = tpu.vector_load_idx %arg7[%add3A_459] : memref<6400xi32, #tpu.memory_space<vmem>>[vector<16xi32>], vector<16xi32>,
        %gather3A_461 = tpu.vector_load_idx %arg5[%gather3A_460] : memref<100000xi32, #tpu.memory_space<vmem>>[vector<16xi32>], vector<16xi32>,
        %shift_right_logical3A_462 = arith.shrui %gather3A_460, %broadcast_in_dim3A_64 : vector<16xi32>
        %gather3A_463 = tpu.vector_load_idx %arg6[%shift_right_logical3A_462] : memref<6272xi32, #tpu.memory_space<vmem>>[vector<16xi32>], vector<16xi32>,
        %and3A_464 = arith.andi %gather3A_460, %broadcast_in_dim3A_66 : vector<16xi32>
        %shift_left3A_465 = arith.shli %and3A_464, %broadcast_in_dim3A_60 : vector<16xi32>
        %shift_right_logical3A_466 = arith.shrui %gather3A_463, %shift_left3A_465 : vector<16xi32>
        %and3A_467 = arith.andi %shift_right_logical3A_466, %broadcast_in_dim3A_70 : vector<16xi32>
        %ne3A_468 = arith.constant 0 : i32
        %ne3A_469 = vector.broadcast %ne3A_468 : i32 to vector<16xi32>
        %ne3A_470 = arith.cmpi ne, %gather3A_460, %ne3A_469 : vector<16xi32>
        %and3A_471 = arith.andi %scan3A_409, %ne3A_434 : vector<16xi1>
        %and3A_472 = arith.andi %and3A_471, %ne3A_470 : vector<16xi1>
        %shift_left3A_473 = arith.shli %scan3A_411, %broadcast_in_dim3A_62 : vector<16xi32>
        %or3A_474 = arith.ori %shift_left3A_473, %scan3A_413 : vector<16xi32>
        %shift_left3A_475 = arith.shli %gather3A_425, %broadcast_in_dim3A_60 : vector<16xi32>
        %shift_right_logical3A_476 = arith.shrui %and3A_431, %broadcast_in_dim3A_60 : vector<16xi32>
        %or3A_477 = arith.ori %shift_left3A_475, %shift_right_logical3A_476 : vector<16xi32>
        %xor3A_478 = arith.xori %or3A_474, %or3A_477 : vector<16xi32>
        %xor3A_479 = arith.xori %xor3A_478, %gather3A_461 : vector<16xi32>
        %select_n3A_480 = arith.select %and3A_472, %xor3A_479, %broadcast_in_dim3A_54 : vector<16xi1>, vector<16xi32>
        %and3A_481 = arith.andi %xor3A_446, %select_n3A_480 : vector<16xi32>
        %xor3A_482 = arith.xori %xor3A_446, %select_n3A_480 : vector<16xi32>
        %and3A_483 = arith.andi %xor3A_448, %and3A_481 : vector<16xi32>
        %xor3A_484 = arith.xori %xor3A_448, %and3A_481 : vector<16xi32>
        %xor3A_485 = arith.xori %xor3A_449, %and3A_483 : vector<16xi32>
        %select_n3A_486 = arith.select %and3A_472, %broadcast_in_dim3A_56, %broadcast_in_dim3A_54 : vector<16xi1>, vector<16xi32>
        %add3A_487 = arith.addi %add3A_451, %select_n3A_486 : vector<16xi32>
        %add3A_488 = arith.constant 2 : i32
        %add3A_489 = arith.addi %mul3A_415, %add3A_488 : i32
        %add3A_490 = arith.constant 2 : i32
        %add3A_491 = arith.addi %add3A_489, %add3A_490 : i32
        %add3A_492 = arith.constant 3200 : i32
        %add3A_493 = arith.addi %add3A_492, %add3A_491 : i32
        %broadcast_in_dim3A_494 = vector.broadcast %add3A_493 : i32 to vector<16xi32>
        %add3A_495 = arith.addi %broadcast_in_dim3A_494, %mul3A_73 : vector<16xi32>
        %gather3A_496 = tpu.vector_load_idx %arg7[%add3A_495] : memref<6400xi32, #tpu.memory_space<vmem>>[vector<16xi32>], vector<16xi32>,
        %gather3A_497 = tpu.vector_load_idx %arg5[%gather3A_496] : memref<100000xi32, #tpu.memory_space<vmem>>[vector<16xi32>], vector<16xi32>,
        %shift_right_logical3A_498 = arith.shrui %gather3A_496, %broadcast_in_dim3A_64 : vector<16xi32>
        %gather3A_499 = tpu.vector_load_idx %arg6[%shift_right_logical3A_498] : memref<6272xi32, #tpu.memory_space<vmem>>[vector<16xi32>], vector<16xi32>,
        %and3A_500 = arith.andi %gather3A_496, %broadcast_in_dim3A_66 : vector<16xi32>
        %shift_left3A_501 = arith.shli %and3A_500, %broadcast_in_dim3A_60 : vector<16xi32>
        %shift_right_logical3A_502 = arith.shrui %gather3A_499, %shift_left3A_501 : vector<16xi32>
        %and3A_503 = arith.andi %shift_right_logical3A_502, %broadcast_in_dim3A_70 : vector<16xi32>
        %ne3A_504 = arith.constant 0 : i32
        %ne3A_505 = vector.broadcast %ne3A_504 : i32 to vector<16xi32>
        %ne3A_506 = arith.cmpi ne, %gather3A_496, %ne3A_505 : vector<16xi32>
        %and3A_507 = arith.andi %ne3A_434, %ne3A_470 : vector<16xi1>
        %and3A_508 = arith.andi %and3A_507, %ne3A_506 : vector<16xi1>
        %shift_left3A_509 = arith.shli %gather3A_425, %broadcast_in_dim3A_62 : vector<16xi32>
        %or3A_510 = arith.ori %shift_left3A_509, %and3A_431 : vector<16xi32>
        %shift_left3A_511 = arith.shli %gather3A_461, %broadcast_in_dim3A_60 : vector<16xi32>
        %shift_right_logical3A_512 = arith.shrui %and3A_467, %broadcast_in_dim3A_60 : vector<16xi32>
        %or3A_513 = arith.ori %shift_left3A_511, %shift_right_logical3A_512 : vector<16xi32>
        %xor3A_514 = arith.xori %or3A_510, %or3A_513 : vector<16xi32>
        %xor3A_515 = arith.xori %xor3A_514, %gather3A_497 : vector<16xi32>
        %select_n3A_516 = arith.select %and3A_508, %xor3A_515, %broadcast_in_dim3A_54 : vector<16xi1>, vector<16xi32>
        %and3A_517 = arith.andi %xor3A_482, %select_n3A_516 : vector<16xi32>
        %xor3A_518 = arith.xori %xor3A_482, %select_n3A_516 : vector<16xi32>
        %and3A_519 = arith.andi %xor3A_484, %and3A_517 : vector<16xi32>
        %xor3A_520 = arith.xori %xor3A_484, %and3A_517 : vector<16xi32>
        %xor3A_521 = arith.xori %xor3A_485, %and3A_519 : vector<16xi32>
        %select_n3A_522 = arith.select %and3A_508, %broadcast_in_dim3A_56, %broadcast_in_dim3A_54 : vector<16xi1>, vector<16xi32>
        %add3A_523 = arith.addi %add3A_487, %select_n3A_522 : vector<16xi32>
        %add3A_524 = arith.constant 3 : i32
        %add3A_525 = arith.addi %mul3A_415, %add3A_524 : i32
        %add3A_526 = arith.constant 2 : i32
        %add3A_527 = arith.addi %add3A_525, %add3A_526 : i32
        %add3A_528 = arith.constant 3200 : i32
        %add3A_529 = arith.addi %add3A_528, %add3A_527 : i32
        %broadcast_in_dim3A_530 = vector.broadcast %add3A_529 : i32 to vector<16xi32>
        %add3A_531 = arith.addi %broadcast_in_dim3A_530, %mul3A_73 : vector<16xi32>
        %gather3A_532 = tpu.vector_load_idx %arg7[%add3A_531] : memref<6400xi32, #tpu.memory_space<vmem>>[vector<16xi32>], vector<16xi32>,
        %gather3A_533 = tpu.vector_load_idx %arg5[%gather3A_532] : memref<100000xi32, #tpu.memory_space<vmem>>[vector<16xi32>], vector<16xi32>,
        %shift_right_logical3A_534 = arith.shrui %gather3A_532, %broadcast_in_dim3A_64 : vector<16xi32>
        %gather3A_535 = tpu.vector_load_idx %arg6[%shift_right_logical3A_534] : memref<6272xi32, #tpu.memory_space<vmem>>[vector<16xi32>], vector<16xi32>,
        %and3A_536 = arith.andi %gather3A_532, %broadcast_in_dim3A_66 : vector<16xi32>
        %shift_left3A_537 = arith.shli %and3A_536, %broadcast_in_dim3A_60 : vector<16xi32>
        %shift_right_logical3A_538 = arith.shrui %gather3A_535, %shift_left3A_537 : vector<16xi32>
        %and3A_539 = arith.andi %shift_right_logical3A_538, %broadcast_in_dim3A_70 : vector<16xi32>
        %ne3A_540 = arith.constant 0 : i32
        %ne3A_541 = vector.broadcast %ne3A_540 : i32 to vector<16xi32>
        %ne3A_542 = arith.cmpi ne, %gather3A_532, %ne3A_541 : vector<16xi32>
        %and3A_543 = arith.andi %ne3A_470, %ne3A_506 : vector<16xi1>
        %and3A_544 = arith.andi %and3A_543, %ne3A_542 : vector<16xi1>
        %shift_left3A_545 = arith.shli %gather3A_461, %broadcast_in_dim3A_62 : vector<16xi32>
        %or3A_546 = arith.ori %shift_left3A_545, %and3A_467 : vector<16xi32>
        %shift_left3A_547 = arith.shli %gather3A_497, %broadcast_in_dim3A_60 : vector<16xi32>
        %shift_right_logical3A_548 = arith.shrui %and3A_503, %broadcast_in_dim3A_60 : vector<16xi32>
        %or3A_549 = arith.ori %shift_left3A_547, %shift_right_logical3A_548 : vector<16xi32>
        %xor3A_550 = arith.xori %or3A_546, %or3A_549 : vector<16xi32>
        %xor3A_551 = arith.xori %xor3A_550, %gather3A_533 : vector<16xi32>
        %select_n3A_552 = arith.select %and3A_544, %xor3A_551, %broadcast_in_dim3A_54 : vector<16xi1>, vector<16xi32>
        %and3A_553 = arith.andi %xor3A_518, %select_n3A_552 : vector<16xi32>
        %xor3A_554 = arith.xori %xor3A_518, %select_n3A_552 : vector<16xi32>
        %and3A_555 = arith.andi %xor3A_520, %and3A_553 : vector<16xi32>
        %xor3A_556 = arith.xori %xor3A_520, %and3A_553 : vector<16xi32>
        %xor3A_557 = arith.xori %xor3A_521, %and3A_555 : vector<16xi32>
        %select_n3A_558 = arith.select %and3A_544, %broadcast_in_dim3A_56, %broadcast_in_dim3A_54 : vector<16xi1>, vector<16xi32>
        %add3A_559 = arith.addi %add3A_523, %select_n3A_558 : vector<16xi32>
        %add3A_560 = arith.constant 4 : i32
        %add3A_561 = arith.addi %mul3A_415, %add3A_560 : i32
        %add3A_562 = arith.constant 2 : i32
        %add3A_563 = arith.addi %add3A_561, %add3A_562 : i32
        %add3A_564 = arith.constant 3200 : i32
        %add3A_565 = arith.addi %add3A_564, %add3A_563 : i32
        %broadcast_in_dim3A_566 = vector.broadcast %add3A_565 : i32 to vector<16xi32>
        %add3A_567 = arith.addi %broadcast_in_dim3A_566, %mul3A_73 : vector<16xi32>
        %gather3A_568 = tpu.vector_load_idx %arg7[%add3A_567] : memref<6400xi32, #tpu.memory_space<vmem>>[vector<16xi32>], vector<16xi32>,
        %gather3A_569 = tpu.vector_load_idx %arg5[%gather3A_568] : memref<100000xi32, #tpu.memory_space<vmem>>[vector<16xi32>], vector<16xi32>,
        %shift_right_logical3A_570 = arith.shrui %gather3A_568, %broadcast_in_dim3A_64 : vector<16xi32>
        %gather3A_571 = tpu.vector_load_idx %arg6[%shift_right_logical3A_570] : memref<6272xi32, #tpu.memory_space<vmem>>[vector<16xi32>], vector<16xi32>,
        %and3A_572 = arith.andi %gather3A_568, %broadcast_in_dim3A_66 : vector<16xi32>
        %shift_left3A_573 = arith.shli %and3A_572, %broadcast_in_dim3A_60 : vector<16xi32>
        %shift_right_logical3A_574 = arith.shrui %gather3A_571, %shift_left3A_573 : vector<16xi32>
        %and3A_575 = arith.andi %shift_right_logical3A_574, %broadcast_in_dim3A_70 : vector<16xi32>
        %ne3A_576 = arith.constant 0 : i32
        %ne3A_577 = vector.broadcast %ne3A_576 : i32 to vector<16xi32>
        %ne3A_578 = arith.cmpi ne, %gather3A_568, %ne3A_577 : vector<16xi32>
        %and3A_579 = arith.andi %ne3A_506, %ne3A_542 : vector<16xi1>
        %and3A_580 = arith.andi %and3A_579, %ne3A_578 : vector<16xi1>
        %shift_left3A_581 = arith.shli %gather3A_497, %broadcast_in_dim3A_62 : vector<16xi32>
        %or3A_582 = arith.ori %shift_left3A_581, %and3A_503 : vector<16xi32>
        %shift_left3A_583 = arith.shli %gather3A_533, %broadcast_in_dim3A_60 : vector<16xi32>
        %shift_right_logical3A_584 = arith.shrui %and3A_539, %broadcast_in_dim3A_60 : vector<16xi32>
        %or3A_585 = arith.ori %shift_left3A_583, %shift_right_logical3A_584 : vector<16xi32>
        %xor3A_586 = arith.xori %or3A_582, %or3A_585 : vector<16xi32>
        %xor3A_587 = arith.xori %xor3A_586, %gather3A_569 : vector<16xi32>
        %select_n3A_588 = arith.select %and3A_580, %xor3A_587, %broadcast_in_dim3A_54 : vector<16xi1>, vector<16xi32>
        %and3A_589 = arith.andi %xor3A_554, %select_n3A_588 : vector<16xi32>
        %xor3A_590 = arith.xori %xor3A_554, %select_n3A_588 : vector<16xi32>
        %and3A_591 = arith.andi %xor3A_556, %and3A_589 : vector<16xi32>
        %xor3A_592 = arith.xori %xor3A_556, %and3A_589 : vector<16xi32>
        %xor3A_593 = arith.xori %xor3A_557, %and3A_591 : vector<16xi32>
        %select_n3A_594 = arith.select %and3A_580, %broadcast_in_dim3A_56, %broadcast_in_dim3A_54 : vector<16xi1>, vector<16xi32>
        %add3A_595 = arith.addi %add3A_559, %select_n3A_594 : vector<16xi32>
        %add3A_596 = arith.constant 5 : i32
        %add3A_597 = arith.addi %mul3A_415, %add3A_596 : i32
        %add3A_598 = arith.constant 2 : i32
        %add3A_599 = arith.addi %add3A_597, %add3A_598 : i32
        %add3A_600 = arith.constant 3200 : i32
        %add3A_601 = arith.addi %add3A_600, %add3A_599 : i32
        %broadcast_in_dim3A_602 = vector.broadcast %add3A_601 : i32 to vector<16xi32>
        %add3A_603 = arith.addi %broadcast_in_dim3A_602, %mul3A_73 : vector<16xi32>
        %gather3A_604 = tpu.vector_load_idx %arg7[%add3A_603] : memref<6400xi32, #tpu.memory_space<vmem>>[vector<16xi32>], vector<16xi32>,
        %gather3A_605 = tpu.vector_load_idx %arg5[%gather3A_604] : memref<100000xi32, #tpu.memory_space<vmem>>[vector<16xi32>], vector<16xi32>,
        %shift_right_logical3A_606 = arith.shrui %gather3A_604, %broadcast_in_dim3A_64 : vector<16xi32>
        %gather3A_607 = tpu.vector_load_idx %arg6[%shift_right_logical3A_606] : memref<6272xi32, #tpu.memory_space<vmem>>[vector<16xi32>], vector<16xi32>,
        %and3A_608 = arith.andi %gather3A_604, %broadcast_in_dim3A_66 : vector<16xi32>
        %shift_left3A_609 = arith.shli %and3A_608, %broadcast_in_dim3A_60 : vector<16xi32>
        %shift_right_logical3A_610 = arith.shrui %gather3A_607, %shift_left3A_609 : vector<16xi32>
        %and3A_611 = arith.andi %shift_right_logical3A_610, %broadcast_in_dim3A_70 : vector<16xi32>
        %ne3A_612 = arith.constant 0 : i32
        %ne3A_613 = vector.broadcast %ne3A_612 : i32 to vector<16xi32>
        %ne3A_614 = arith.cmpi ne, %gather3A_604, %ne3A_613 : vector<16xi32>
        %and3A_615 = arith.andi %ne3A_542, %ne3A_578 : vector<16xi1>
        %and3A_616 = arith.andi %and3A_615, %ne3A_614 : vector<16xi1>
        %shift_left3A_617 = arith.shli %gather3A_533, %broadcast_in_dim3A_62 : vector<16xi32>
        %or3A_618 = arith.ori %shift_left3A_617, %and3A_539 : vector<16xi32>
        %shift_left3A_619 = arith.shli %gather3A_569, %broadcast_in_dim3A_60 : vector<16xi32>
        %shift_right_logical3A_620 = arith.shrui %and3A_575, %broadcast_in_dim3A_60 : vector<16xi32>
        %or3A_621 = arith.ori %shift_left3A_619, %shift_right_logical3A_620 : vector<16xi32>
        %xor3A_622 = arith.xori %or3A_618, %or3A_621 : vector<16xi32>
        %xor3A_623 = arith.xori %xor3A_622, %gather3A_605 : vector<16xi32>
        %select_n3A_624 = arith.select %and3A_616, %xor3A_623, %broadcast_in_dim3A_54 : vector<16xi1>, vector<16xi32>
        %and3A_625 = arith.andi %xor3A_590, %select_n3A_624 : vector<16xi32>
        %xor3A_626 = arith.xori %xor3A_590, %select_n3A_624 : vector<16xi32>
        %and3A_627 = arith.andi %xor3A_592, %and3A_625 : vector<16xi32>
        %xor3A_628 = arith.xori %xor3A_592, %and3A_625 : vector<16xi32>
        %xor3A_629 = arith.xori %xor3A_593, %and3A_627 : vector<16xi32>
        %select_n3A_630 = arith.select %and3A_616, %broadcast_in_dim3A_56, %broadcast_in_dim3A_54 : vector<16xi1>, vector<16xi32>
        %add3A_631 = arith.addi %add3A_595, %select_n3A_630 : vector<16xi32>
        %add3A_632 = arith.constant 6 : i32
        %add3A_633 = arith.addi %mul3A_415, %add3A_632 : i32
        %add3A_634 = arith.constant 2 : i32
        %add3A_635 = arith.addi %add3A_633, %add3A_634 : i32
        %add3A_636 = arith.constant 3200 : i32
        %add3A_637 = arith.addi %add3A_636, %add3A_635 : i32
        %broadcast_in_dim3A_638 = vector.broadcast %add3A_637 : i32 to vector<16xi32>
        %add3A_639 = arith.addi %broadcast_in_dim3A_638, %mul3A_73 : vector<16xi32>
        %gather3A_640 = tpu.vector_load_idx %arg7[%add3A_639] : memref<6400xi32, #tpu.memory_space<vmem>>[vector<16xi32>], vector<16xi32>,
        %gather3A_641 = tpu.vector_load_idx %arg5[%gather3A_640] : memref<100000xi32, #tpu.memory_space<vmem>>[vector<16xi32>], vector<16xi32>,
        %shift_right_logical3A_642 = arith.shrui %gather3A_640, %broadcast_in_dim3A_64 : vector<16xi32>
        %gather3A_643 = tpu.vector_load_idx %arg6[%shift_right_logical3A_642] : memref<6272xi32, #tpu.memory_space<vmem>>[vector<16xi32>], vector<16xi32>,
        %and3A_644 = arith.andi %gather3A_640, %broadcast_in_dim3A_66 : vector<16xi32>
        %shift_left3A_645 = arith.shli %and3A_644, %broadcast_in_dim3A_60 : vector<16xi32>
        %shift_right_logical3A_646 = arith.shrui %gather3A_643, %shift_left3A_645 : vector<16xi32>
        %and3A_647 = arith.andi %shift_right_logical3A_646, %broadcast_in_dim3A_70 : vector<16xi32>
        %ne3A_648 = arith.constant 0 : i32
        %ne3A_649 = vector.broadcast %ne3A_648 : i32 to vector<16xi32>
        %ne3A_650 = arith.cmpi ne, %gather3A_640, %ne3A_649 : vector<16xi32>
        %and3A_651 = arith.andi %ne3A_578, %ne3A_614 : vector<16xi1>
        %and3A_652 = arith.andi %and3A_651, %ne3A_650 : vector<16xi1>
        %shift_left3A_653 = arith.shli %gather3A_569, %broadcast_in_dim3A_62 : vector<16xi32>
        %or3A_654 = arith.ori %shift_left3A_653, %and3A_575 : vector<16xi32>
        %shift_left3A_655 = arith.shli %gather3A_605, %broadcast_in_dim3A_60 : vector<16xi32>
        %shift_right_logical3A_656 = arith.shrui %and3A_611, %broadcast_in_dim3A_60 : vector<16xi32>
        %or3A_657 = arith.ori %shift_left3A_655, %shift_right_logical3A_656 : vector<16xi32>
        %xor3A_658 = arith.xori %or3A_654, %or3A_657 : vector<16xi32>
        %xor3A_659 = arith.xori %xor3A_658, %gather3A_641 : vector<16xi32>
        %select_n3A_660 = arith.select %and3A_652, %xor3A_659, %broadcast_in_dim3A_54 : vector<16xi1>, vector<16xi32>
        %and3A_661 = arith.andi %xor3A_626, %select_n3A_660 : vector<16xi32>
        %xor3A_662 = arith.xori %xor3A_626, %select_n3A_660 : vector<16xi32>
        %and3A_663 = arith.andi %xor3A_628, %and3A_661 : vector<16xi32>
        %xor3A_664 = arith.xori %xor3A_628, %and3A_661 : vector<16xi32>
        %xor3A_665 = arith.xori %xor3A_629, %and3A_663 : vector<16xi32>
        %select_n3A_666 = arith.select %and3A_652, %broadcast_in_dim3A_56, %broadcast_in_dim3A_54 : vector<16xi1>, vector<16xi32>
        %add3A_667 = arith.addi %add3A_631, %select_n3A_666 : vector<16xi32>
        %and3A_668 = arith.andi %scan3A_399, %xor3A_662 : vector<16xi32>
        %xor3A_669 = arith.xori %scan3A_399, %xor3A_662 : vector<16xi32>
        %xor3A_670 = arith.xori %scan3A_400, %xor3A_664 : vector<16xi32>
        %and3A_671 = arith.andi %scan3A_400, %xor3A_664 : vector<16xi32>
        %and3A_672 = arith.andi %xor3A_670, %and3A_668 : vector<16xi32>
        %or3A_673 = arith.ori %and3A_671, %and3A_672 : vector<16xi32>
        %xor3A_674 = arith.xori %xor3A_670, %and3A_668 : vector<16xi32>
        %xor3A_675 = arith.xori %scan3A_401, %xor3A_665 : vector<16xi32>
        %and3A_676 = arith.andi %scan3A_401, %xor3A_665 : vector<16xi32>
        %and3A_677 = arith.andi %xor3A_675, %or3A_673 : vector<16xi32>
        %or3A_678 = arith.ori %and3A_676, %and3A_677 : vector<16xi32>
        %xor3A_679 = arith.xori %xor3A_675, %or3A_673 : vector<16xi32>
        %xor3A_680 = arith.xori %scan3A_402, %or3A_678 : vector<16xi32>
        %and3A_681 = arith.andi %scan3A_402, %or3A_678 : vector<16xi32>
        %xor3A_682 = arith.xori %scan3A_403, %and3A_681 : vector<16xi32>
        %and3A_683 = arith.andi %scan3A_403, %and3A_681 : vector<16xi32>
        %xor3A_684 = arith.xori %scan3A_404, %and3A_683 : vector<16xi32>
        %and3A_685 = arith.andi %scan3A_404, %and3A_683 : vector<16xi32>
        %xor3A_686 = arith.xori %scan3A_405, %and3A_685 : vector<16xi32>
        %and3A_687 = arith.andi %scan3A_405, %and3A_685 : vector<16xi32>
        %xor3A_688 = arith.xori %scan3A_406, %and3A_687 : vector<16xi32>
        %and3A_689 = arith.andi %scan3A_406, %and3A_687 : vector<16xi32>
        scf.yield %xor3A_669, %xor3A_674, %xor3A_679, %xor3A_680, %xor3A_682, %xor3A_684, %xor3A_686, %xor3A_688, %add3A_667, %ne3A_614, %ne3A_650, %gather3A_605, %gather3A_641, %and3A_611, %and3A_647 : vector<16xi32>, vector<16xi32>, vector<16xi32>, vector<16xi32>, vector<16xi32>, vector<16xi32>, vector<16xi32>, vector<16xi32>, vector<16xi32>, vector<16xi1>, vector<16xi1>, vector<16xi32>, vector<16xi32>, vector<16xi32>, vector<16xi32>
      }
      %scan3A_303 = arith.constant 28 : i32
      %broadcast_in_dim3A_304 = arith.constant 3398 : i32
      %broadcast_in_dim3A_305 = vector.broadcast %broadcast_in_dim3A_304 : i32 to vector<16xi32>
      %add3A_306 = arith.addi %broadcast_in_dim3A_305, %mul3A_73 : vector<16xi32>
      %gather3A_307 = tpu.vector_load_idx %arg7[%add3A_306] : memref<6400xi32, #tpu.memory_space<vmem>>[vector<16xi32>], vector<16xi32>,
      %gather3A_308 = tpu.vector_load_idx %arg5[%gather3A_307] : memref<100000xi32, #tpu.memory_space<vmem>>[vector<16xi32>], vector<16xi32>,
      %shift_right_logical3A_309 = arith.shrui %gather3A_307, %broadcast_in_dim3A_64 : vector<16xi32>
      %gather3A_310 = tpu.vector_load_idx %arg6[%shift_right_logical3A_309] : memref<6272xi32, #tpu.memory_space<vmem>>[vector<16xi32>], vector<16xi32>,
      %and3A_311 = arith.andi %gather3A_307, %broadcast_in_dim3A_66 : vector<16xi32>
      %shift_left3A_312 = arith.shli %and3A_311, %broadcast_in_dim3A_60 : vector<16xi32>
      %shift_right_logical3A_313 = arith.shrui %gather3A_310, %shift_left3A_312 : vector<16xi32>
      %and3A_314 = arith.andi %shift_right_logical3A_313, %broadcast_in_dim3A_70 : vector<16xi32>
      %ne3A_315 = arith.constant 0 : i32
      %ne3A_316 = vector.broadcast %ne3A_315 : i32 to vector<16xi32>
      %ne3A_317 = arith.cmpi ne, %gather3A_307, %ne3A_316 : vector<16xi32>
      %and3A_318 = arith.andi %scan3A_302#9, %scan3A_302#10 : vector<16xi1>
      %and3A_319 = arith.andi %and3A_318, %ne3A_317 : vector<16xi1>
      %shift_left3A_320 = arith.shli %scan3A_302#11, %broadcast_in_dim3A_62 : vector<16xi32>
      %or3A_321 = arith.ori %shift_left3A_320, %scan3A_302#13 : vector<16xi32>
      %shift_left3A_322 = arith.shli %scan3A_302#12, %broadcast_in_dim3A_60 : vector<16xi32>
      %shift_right_logical3A_323 = arith.shrui %scan3A_302#14, %broadcast_in_dim3A_60 : vector<16xi32>
      %or3A_324 = arith.ori %shift_left3A_322, %shift_right_logical3A_323 : vector<16xi32>
      %xor3A_325 = arith.xori %or3A_321, %or3A_324 : vector<16xi32>
      %xor3A_326 = arith.xori %xor3A_325, %gather3A_308 : vector<16xi32>
      %select_n3A_327 = arith.select %and3A_319, %xor3A_326, %broadcast_in_dim3A_54 : vector<16xi1>, vector<16xi32>
      %and3A_328 = arith.andi %broadcast_in_dim3A_54, %select_n3A_327 : vector<16xi32>
      %xor3A_329 = arith.xori %broadcast_in_dim3A_54, %select_n3A_327 : vector<16xi32>
      %and3A_330 = arith.andi %broadcast_in_dim3A_54, %and3A_328 : vector<16xi32>
      %xor3A_331 = arith.xori %broadcast_in_dim3A_54, %and3A_328 : vector<16xi32>
      %xor3A_332 = arith.xori %broadcast_in_dim3A_54, %and3A_330 : vector<16xi32>
      %select_n3A_333 = arith.select %and3A_319, %broadcast_in_dim3A_56, %broadcast_in_dim3A_54 : vector<16xi1>, vector<16xi32>
      %add3A_334 = arith.addi %scan3A_302#8, %select_n3A_333 : vector<16xi32>
      %broadcast_in_dim3A_335 = arith.constant 3399 : i32
      %broadcast_in_dim3A_336 = vector.broadcast %broadcast_in_dim3A_335 : i32 to vector<16xi32>
      %add3A_337 = arith.addi %broadcast_in_dim3A_336, %mul3A_73 : vector<16xi32>
      %gather3A_338 = tpu.vector_load_idx %arg7[%add3A_337] : memref<6400xi32, #tpu.memory_space<vmem>>[vector<16xi32>], vector<16xi32>,
      %gather3A_339 = tpu.vector_load_idx %arg5[%gather3A_338] : memref<100000xi32, #tpu.memory_space<vmem>>[vector<16xi32>], vector<16xi32>,
      %shift_right_logical3A_340 = arith.shrui %gather3A_338, %broadcast_in_dim3A_64 : vector<16xi32>
      %gather3A_341 = tpu.vector_load_idx %arg6[%shift_right_logical3A_340] : memref<6272xi32, #tpu.memory_space<vmem>>[vector<16xi32>], vector<16xi32>,
      %and3A_342 = arith.andi %gather3A_338, %broadcast_in_dim3A_66 : vector<16xi32>
      %shift_left3A_343 = arith.shli %and3A_342, %broadcast_in_dim3A_60 : vector<16xi32>
      %shift_right_logical3A_344 = arith.shrui %gather3A_341, %shift_left3A_343 : vector<16xi32>
      %and3A_345 = arith.andi %shift_right_logical3A_344, %broadcast_in_dim3A_70 : vector<16xi32>
      %ne3A_346 = arith.constant 0 : i32
      %ne3A_347 = vector.broadcast %ne3A_346 : i32 to vector<16xi32>
      %ne3A_348 = arith.cmpi ne, %gather3A_338, %ne3A_347 : vector<16xi32>
      %and3A_349 = arith.andi %scan3A_302#10, %ne3A_317 : vector<16xi1>
      %and3A_350 = arith.andi %and3A_349, %ne3A_348 : vector<16xi1>
      %shift_left3A_351 = arith.shli %scan3A_302#12, %broadcast_in_dim3A_62 : vector<16xi32>
      %or3A_352 = arith.ori %shift_left3A_351, %scan3A_302#14 : vector<16xi32>
      %shift_left3A_353 = arith.shli %gather3A_308, %broadcast_in_dim3A_60 : vector<16xi32>
      %shift_right_logical3A_354 = arith.shrui %and3A_314, %broadcast_in_dim3A_60 : vector<16xi32>
      %or3A_355 = arith.ori %shift_left3A_353, %shift_right_logical3A_354 : vector<16xi32>
      %xor3A_356 = arith.xori %or3A_352, %or3A_355 : vector<16xi32>
      %xor3A_357 = arith.xori %xor3A_356, %gather3A_339 : vector<16xi32>
      %select_n3A_358 = arith.select %and3A_350, %xor3A_357, %broadcast_in_dim3A_54 : vector<16xi1>, vector<16xi32>
      %and3A_359 = arith.andi %xor3A_329, %select_n3A_358 : vector<16xi32>
      %xor3A_360 = arith.xori %xor3A_329, %select_n3A_358 : vector<16xi32>
      %and3A_361 = arith.andi %xor3A_331, %and3A_359 : vector<16xi32>
      %xor3A_362 = arith.xori %xor3A_331, %and3A_359 : vector<16xi32>
      %xor3A_363 = arith.xori %xor3A_332, %and3A_361 : vector<16xi32>
      %select_n3A_364 = arith.select %and3A_350, %broadcast_in_dim3A_56, %broadcast_in_dim3A_54 : vector<16xi1>, vector<16xi32>
      %add3A_365 = arith.addi %add3A_334, %select_n3A_364 : vector<16xi32>
      %and3A_366 = arith.andi %scan3A_302#0, %xor3A_360 : vector<16xi32>
      %xor3A_367 = arith.xori %scan3A_302#0, %xor3A_360 : vector<16xi32>
      %xor3A_368 = arith.xori %scan3A_302#1, %xor3A_362 : vector<16xi32>
      %and3A_369 = arith.andi %scan3A_302#1, %xor3A_362 : vector<16xi32>
      %and3A_370 = arith.andi %xor3A_368, %and3A_366 : vector<16xi32>
      %or3A_371 = arith.ori %and3A_369, %and3A_370 : vector<16xi32>
      %xor3A_372 = arith.xori %xor3A_368, %and3A_366 : vector<16xi32>
      %xor3A_373 = arith.xori %scan3A_302#2, %xor3A_363 : vector<16xi32>
      %and3A_374 = arith.andi %scan3A_302#2, %xor3A_363 : vector<16xi32>
      %and3A_375 = arith.andi %xor3A_373, %or3A_371 : vector<16xi32>
      %or3A_376 = arith.ori %and3A_374, %and3A_375 : vector<16xi32>
      %xor3A_377 = arith.xori %xor3A_373, %or3A_371 : vector<16xi32>
      %xor3A_378 = arith.xori %scan3A_302#3, %or3A_376 : vector<16xi32>
      %and3A_379 = arith.andi %scan3A_302#3, %or3A_376 : vector<16xi32>
      %xor3A_380 = arith.xori %scan3A_302#4, %and3A_379 : vector<16xi32>
      %and3A_381 = arith.andi %scan3A_302#4, %and3A_379 : vector<16xi32>
      %xor3A_382 = arith.xori %scan3A_302#5, %and3A_381 : vector<16xi32>
      %and3A_383 = arith.andi %scan3A_302#5, %and3A_381 : vector<16xi32>
      %xor3A_384 = arith.xori %scan3A_302#6, %and3A_383 : vector<16xi32>
      %and3A_385 = arith.andi %scan3A_302#6, %and3A_383 : vector<16xi32>
      %xor3A_386 = arith.xori %scan3A_302#7, %and3A_385 : vector<16xi32>
      %and3A_387 = arith.andi %scan3A_302#7, %and3A_385 : vector<16xi32>
      %mul3A_388 = arith.constant 16 : i32
      %mul3A_389 = arith.muli %add3A_269, %mul3A_388 : i32
      %broadcast_in_dim3A_390 = vector.broadcast %mul3A_389 : i32 to vector<16xi32>
      %add3A_391 = arith.addi %broadcast_in_dim3A_390, %iota3A : vector<16xi32>
      %scan3A_392 = arith.constant 0 : i32
      %scan3A_393 = arith.constant 0 : i32
      %scan3A_394 = arith.constant 32 : i32
      %scan3A_395 = arith.addi %scan3A_393, %scan3A_394 : i32
      %scan3A_396 = arith.constant 1 : i32
      scf.for %scan3A_398 = %scan3A_393 to %scan3A_395 step %scan3A_396  : i32 {
        %broadcast_in_dim3A_399 = vector.broadcast %scan3A_398 : i32 to vector<16xi32>
        %shift_right_logical3A_400 = arith.shrui %xor3A_367, %broadcast_in_dim3A_399 : vector<16xi32>
        %and3A_401 = arith.andi %shift_right_logical3A_400, %broadcast_in_dim3A_56 : vector<16xi32>
        %shift_right_logical3A_402 = arith.shrui %xor3A_372, %broadcast_in_dim3A_399 : vector<16xi32>
        %and3A_403 = arith.andi %shift_right_logical3A_402, %broadcast_in_dim3A_56 : vector<16xi32>
        %broadcast_in_dim3A_404 = arith.constant 1 : i32
        %broadcast_in_dim3A_405 = vector.broadcast %broadcast_in_dim3A_404 : i32 to vector<16xi32>
        %shift_left3A_406 = arith.shli %and3A_403, %broadcast_in_dim3A_405 : vector<16xi32>
        %or3A_407 = arith.ori %and3A_401, %shift_left3A_406 : vector<16xi32>
        %shift_right_logical3A_408 = arith.shrui %xor3A_377, %broadcast_in_dim3A_399 : vector<16xi32>
        %and3A_409 = arith.andi %shift_right_logical3A_408, %broadcast_in_dim3A_56 : vector<16xi32>
        %broadcast_in_dim3A_410 = arith.constant 2 : i32
        %broadcast_in_dim3A_411 = vector.broadcast %broadcast_in_dim3A_410 : i32 to vector<16xi32>
        %shift_left3A_412 = arith.shli %and3A_409, %broadcast_in_dim3A_411 : vector<16xi32>
        %or3A_413 = arith.ori %or3A_407, %shift_left3A_412 : vector<16xi32>
        %shift_right_logical3A_414 = arith.shrui %xor3A_378, %broadcast_in_dim3A_399 : vector<16xi32>
        %and3A_415 = arith.andi %shift_right_logical3A_414, %broadcast_in_dim3A_56 : vector<16xi32>
        %broadcast_in_dim3A_416 = arith.constant 3 : i32
        %broadcast_in_dim3A_417 = vector.broadcast %broadcast_in_dim3A_416 : i32 to vector<16xi32>
        %shift_left3A_418 = arith.shli %and3A_415, %broadcast_in_dim3A_417 : vector<16xi32>
        %or3A_419 = arith.ori %or3A_413, %shift_left3A_418 : vector<16xi32>
        %shift_right_logical3A_420 = arith.shrui %xor3A_380, %broadcast_in_dim3A_399 : vector<16xi32>
        %and3A_421 = arith.andi %shift_right_logical3A_420, %broadcast_in_dim3A_56 : vector<16xi32>
        %broadcast_in_dim3A_422 = arith.constant 4 : i32
        %broadcast_in_dim3A_423 = vector.broadcast %broadcast_in_dim3A_422 : i32 to vector<16xi32>
        %shift_left3A_424 = arith.shli %and3A_421, %broadcast_in_dim3A_423 : vector<16xi32>
        %or3A_425 = arith.ori %or3A_419, %shift_left3A_424 : vector<16xi32>
        %shift_right_logical3A_426 = arith.shrui %xor3A_382, %broadcast_in_dim3A_399 : vector<16xi32>
        %and3A_427 = arith.andi %shift_right_logical3A_426, %broadcast_in_dim3A_56 : vector<16xi32>
        %broadcast_in_dim3A_428 = arith.constant 5 : i32
        %broadcast_in_dim3A_429 = vector.broadcast %broadcast_in_dim3A_428 : i32 to vector<16xi32>
        %shift_left3A_430 = arith.shli %and3A_427, %broadcast_in_dim3A_429 : vector<16xi32>
        %or3A_431 = arith.ori %or3A_425, %shift_left3A_430 : vector<16xi32>
        %shift_right_logical3A_432 = arith.shrui %xor3A_384, %broadcast_in_dim3A_399 : vector<16xi32>
        %and3A_433 = arith.andi %shift_right_logical3A_432, %broadcast_in_dim3A_56 : vector<16xi32>
        %broadcast_in_dim3A_434 = arith.constant 6 : i32
        %broadcast_in_dim3A_435 = vector.broadcast %broadcast_in_dim3A_434 : i32 to vector<16xi32>
        %shift_left3A_436 = arith.shli %and3A_433, %broadcast_in_dim3A_435 : vector<16xi32>
        %or3A_437 = arith.ori %or3A_431, %shift_left3A_436 : vector<16xi32>
        %shift_right_logical3A_438 = arith.shrui %xor3A_386, %broadcast_in_dim3A_399 : vector<16xi32>
        %and3A_439 = arith.andi %shift_right_logical3A_438, %broadcast_in_dim3A_56 : vector<16xi32>
        %broadcast_in_dim3A_440 = arith.constant 7 : i32
        %broadcast_in_dim3A_441 = vector.broadcast %broadcast_in_dim3A_440 : i32 to vector<16xi32>
        %shift_left3A_442 = arith.shli %and3A_439, %broadcast_in_dim3A_441 : vector<16xi32>
        %or3A_443 = arith.ori %or3A_437, %shift_left3A_442 : vector<16xi32>
        %add3A_444 = arith.addi %or3A_443, %or3A_443 : vector<16xi32>
        %lt3A_445 = arith.cmpi slt, %add3A_444, %add3A_365 : vector<16xi32>
        %neg3A = arith.constant 0.000000e+00 : f32
        %neg3A_446 = vector.broadcast %neg3A : f32 to vector<16xf32>
        %neg3A_447 = arith.subf %neg3A_446, %broadcast_in_dim3A_58 : vector<16xf32>
        %select_n3A_448 = arith.select %lt3A_445, %broadcast_in_dim3A_58, %neg3A_447 : vector<16xi1>, vector<16xf32>
        tpu.vector_store_idx %arg8[%broadcast_in_dim3A_399, %add3A_391], %select_n3A_448 : memref<32x512xf32, #tpu.memory_space<vmem>>[vector<16xi32>, vector<16xi32>], vector<16xf32>,
      }
      %scan3A_397 = arith.constant 32 : i32
    }
    %scan3A_106 = arith.constant 16 : i32
    %mul3A_107 = arith.constant 32 : i32
    %mul3A_108 = arith.muli %select_n3A_7, %mul3A_107 : i32
    %multiple_of3A_109 = tpu.assume_multiple %mul3A_108, 8 : i32
    "tpu.region"() ({
      %run_scoped3A = tpu.sem_alloc : memref<!tpu.dma_semaphore, #tpu.memory_space<semaphore_mem>>
      %dma_start3A_110 = tpu.memref_slice %arg4[%multiple_of3A_109, %multiple_of3A] : memref<128x4096xf32, #tpu.memory_space<hbm>> -> memref<32x512xf32, #tpu.memory_space<hbm>>
      %dma_start3A_111 = tpu.memref_slice %arg4[%multiple_of3A_109, %multiple_of3A] : memref<128x4096xf32, #tpu.memory_space<hbm>> -> memref<32x512xf32, #tpu.memory_space<hbm>>
      tpu.enqueue_dma source(%arg8 : memref<32x512xf32, #tpu.memory_space<vmem>>) target(%dma_start3A_111 : memref<32x512xf32, #tpu.memory_space<hbm>>) target_semaphore(%run_scoped3A : memref<!tpu.dma_semaphore, #tpu.memory_space<semaphore_mem>>)
      %dma_wait3A = tpu.memref_slice %arg4[%multiple_of3A_109, %multiple_of3A] : memref<128x4096xf32, #tpu.memory_space<hbm>> -> memref<32x512xf32, #tpu.memory_space<hbm>>
      %dma_wait3A_112 = tpu.memref_slice %arg4[%multiple_of3A_109, %multiple_of3A] : memref<128x4096xf32, #tpu.memory_space<hbm>> -> memref<32x512xf32, #tpu.memory_space<hbm>>
      tpu.wait_dma2 semaphore(%run_scoped3A : memref<!tpu.dma_semaphore, #tpu.memory_space<semaphore_mem>>) src(%arg8 : memref<32x512xf32, #tpu.memory_space<vmem>>) dst(%dma_wait3A_112 : memref<32x512xf32, #tpu.memory_space<hbm>>)
      tpu.yield
    }) : () -> ()
    return
  }
}

module attributes {stable_mosaic.version = 14 : i64} {
  func.func @_pack_block(%arg0: i32, %arg1: memref<2560x128xf32, #tpu.memory_space<vmem>>, %arg2: memref<4x2560xi32, #tpu.memory_space<vmem>>) attributes {dimension_semantics = [#tpu.dimension_semantics<arbitrary>], iteration_bounds = array<i64: 40>, scalar_prefetch = 0 : i64, scratch_operands = 0 : i64, tpu.core_type = #tpu.core_type<tc>, window_params = [{transform_indices = @transform_0, window_bounds = array<i64: 2560, 128>}, {transform_indices = @transform_1, window_bounds = array<i64: 4, 2560>}]} {
    %get3A = arith.constant 0 : index
    %get3A_0 = arith.constant 0 : index
    %get3A_1 = vector.load %arg1[%get3A, %get3A_0] : memref<2560x128xf32, #tpu.memory_space<vmem>>, vector<2560x128xf32>
    %lt3A = arith.constant 0.000000e+00 : f32
    %lt3A_2 = vector.broadcast %lt3A : f32 to vector<2560x128xf32>
    %lt3A_3 = arith.cmpf olt, %get3A_1, %lt3A_2 : vector<2560x128xf32>
    %jit3A = arith.constant 1.000000e+00 : f32
    %jit3A_4 = arith.constant 0.000000e+00 : f32
    %broadcast_in_dim3A = vector.broadcast %jit3A : f32 to vector<2560x128xf32>
    %broadcast_in_dim3A_5 = vector.broadcast %jit3A_4 : f32 to vector<2560x128xf32>
    %select_n3A = arith.select %lt3A_3, %broadcast_in_dim3A, %broadcast_in_dim3A_5 : vector<2560x128xi1>, vector<2560x128xf32>
    %iota3A = tpu.iota {dimensions = array<i32: 0>} : vector<8x128xi32>
    %iota3A_6 = tpu.iota {dimensions = array<i32: 1>} : vector<8x128xi32>
    %and3A = arith.constant 31 : i32
    %and3A_7 = vector.broadcast %and3A : i32 to vector<8x128xi32>
    %and3A_8 = arith.andi %iota3A_6, %and3A_7 : vector<8x128xi32>
    %ge3A = arith.constant 4 : i32
    %ge3A_9 = vector.broadcast %ge3A : i32 to vector<8x128xi32>
    %ge3A_10 = arith.cmpi sge, %iota3A, %ge3A_9 : vector<8x128xi32>
    %shift_right_arithmetic3A = arith.constant 5 : i32
    %shift_right_arithmetic3A_11 = vector.broadcast %shift_right_arithmetic3A : i32 to vector<8x128xi32>
    %shift_right_arithmetic3A_12 = arith.shrsi %iota3A_6, %shift_right_arithmetic3A_11 : vector<8x128xi32>
    %and3A_13 = arith.constant 3 : i32
    %and3A_14 = vector.broadcast %and3A_13 : i32 to vector<8x128xi32>
    %and3A_15 = arith.andi %iota3A, %and3A_14 : vector<8x128xi32>
    %eq3A = arith.cmpi eq, %shift_right_arithmetic3A_12, %and3A_15 : vector<8x128xi32>
    %ge3A_16 = arith.constant 16 : i32
    %ge3A_17 = vector.broadcast %ge3A_16 : i32 to vector<8x128xi32>
    %ge3A_18 = arith.cmpi sge, %and3A_8, %ge3A_17 : vector<8x128xi32>
    %eq3A_19 = arith.xori %ge3A_18, %ge3A_10 : vector<8x128xi1>
    %eq3A_20 = arith.constant dense<true> : vector<8x128xi1>
    %eq3A_21 = arith.xori %eq3A_19, %eq3A_20 : vector<8x128xi1>
    %and3A_22 = arith.andi %eq3A, %eq3A_21 : vector<8x128xi1>
    %broadcast_in_dim3A_23 = arith.constant 1 : i32
    %broadcast_in_dim3A_24 = vector.broadcast %broadcast_in_dim3A_23 : i32 to vector<8x128xi32>
    %and3A_25 = arith.constant 15 : i32
    %and3A_26 = vector.broadcast %and3A_25 : i32 to vector<8x128xi32>
    %and3A_27 = arith.andi %and3A_8, %and3A_26 : vector<8x128xi32>
    %shift_left3A = arith.shli %broadcast_in_dim3A_24, %and3A_27 : vector<8x128xi32>
    %jit3A_28 = arith.constant 0 : i32
    %broadcast_in_dim3A_29 = vector.broadcast %jit3A_28 : i32 to vector<8x128xi32>
    %select_n3A_30 = arith.select %and3A_22, %shift_left3A, %broadcast_in_dim3A_29 : vector<8x128xi1>, vector<8x128xi32>
    %convert_element_type3A = arith.sitofp %select_n3A_30 : vector<8x128xi32> to vector<8x128xf32>
    %dot_general3A = arith.constant dense<0.000000e+00> : vector<8x2560xf32>
    %dot_general3A_31 = tpu.matmul %convert_element_type3A, %select_n3A, %dot_general3A {dimension_numbers = #tpu.dot_dimension_numbers<[1], [1], [0], [0], [0, 0, 1, 0], [], []>, transpose_lhs_hint = false} : vector<8x128xf32>, vector<2560x128xf32>, vector<8x2560xf32> -> vector<8x2560xf32>
    %slice3A = vector.extract_strided_slice %dot_general3A_31 {offsets = [0, 0], sizes = [4, 2560], strides = [1, 1]} : vector<8x2560xf32> to vector<4x2560xf32>
    %convert_element_type3A_32 = arith.fptosi %slice3A : vector<4x2560xf32> to vector<4x2560xi32>
    %slice3A_33 = vector.extract_strided_slice %dot_general3A_31 {offsets = [4, 0], sizes = [4, 2560], strides = [1, 1]} : vector<8x2560xf32> to vector<4x2560xf32>
    %convert_element_type3A_34 = arith.fptosi %slice3A_33 : vector<4x2560xf32> to vector<4x2560xi32>
    %shift_left3A_35 = arith.constant 16 : i32
    %shift_left3A_36 = vector.broadcast %shift_left3A_35 : i32 to vector<4x2560xi32>
    %shift_left3A_37 = arith.shli %convert_element_type3A_34, %shift_left3A_36 : vector<4x2560xi32>
    %or3A = arith.ori %convert_element_type3A_32, %shift_left3A_37 : vector<4x2560xi32>
    %swap3A = arith.constant 0 : index
    %swap3A_38 = arith.constant 0 : index
    %swap3A_39 = vector.load %arg2[%swap3A, %swap3A_38] : memref<4x2560xi32, #tpu.memory_space<vmem>>, vector<4x2560xi32>
    tpu.vector_store %arg2[%swap3A, %swap3A_38], %or3A {strides = array<i32>} : memref<4x2560xi32, #tpu.memory_space<vmem>>, vector<4x2560xi32>,
    return
  }
  func.func @transform_0(%arg0: i32) -> (i32, i32) {
    %c0_i32 = arith.constant 0 : i32
    %c0_i32_0 = arith.constant 0 : i32
    return %arg0, %c0_i32 : i32, i32
  }
  func.func @transform_1(%arg0: i32) -> (i32, i32) {
    %c0_i32 = arith.constant 0 : i32
    %c0_i32_0 = arith.constant 0 : i32
    return %c0_i32, %arg0 : i32, i32
  }
}

</mosaic_0001>

<sc_bundles>
// kernel: kernel.4.cloned.1.call-start
scs
__scs_entry_jumppad:
0x0: {  	(pc) =	sbr.rel $0x88, $3  }
0x1: {  	(tag) =	ssettag $0x0;
	lr =	simm.s32 $0x1  }
0x2: {  	[smem:$0x3F9F] =	sst lr;
	_ =	strace $0xD0000000  }
0x3: {  	_ = 	snop  }
0x4: {  	_ = 	snop  }
0x5: {  	_ = 	snop  }
0x6: {  	_ = 	snop  }
0x7: {  	_ = 	snop  }
__scs_overlays_trampoline_lowered:
0x8: {  	[smem:$0x3FAE] =	sst s0  }
0x9: {  	[smem:$0x3FAF] =	sst s1  }
0xa: {  	[smem:$0x3FB0] =	sst s2  }
0xb: {  	[smem:$0x3FB1] =	sst s3  }
0xc: {  	[smem:$0x3FB2] =	sst s4  }
0xd: {  	[smem:$0x3FB3] =	sst s5  }
0xe: {  	[smem:$0x3FB4] =	sst s6  }
0xf: {  	[smem:$0x3FB5] =	sst s7  }
0x10: {  	[smem:$0x3FB6] =	sst s8  }
0x11: {  	[smem:$0x3FB7] =	sst s9;
	s0 =	simm.s32 @!p0 $0x0  }
0x12: {  	s1 =	sld [smem:$0x3F9D];
	s0 =	simm.s32 @p0 $0x1  }
0x13: {  	[smem:$0x3FB8] =	sst s0;
	s0 =	simm.s32 @!p1 $0x0  }
0x14: {  	s2 =	sld [smem:$0x3F9C];
	s0 =	simm.s32 @p1 $0x1  }
0x15: {  	[smem:$0x3FB9] =	sst s0;
	s0 =	simm.s32 @!p2 $0x0  }
0x16: {  	s3 =	sld [smem:$0x3FDB];
	s0 =	simm.s32 @p2 $0x1  }
0x17: {  	s4 =	simm.s32 $0x1BF5;
	[smem:$0x3FBB] =	sst s0  }
0x18: {  	s0 =	sld [smem:$0x3F9E];
	_ =	swait.ge [sflag:s4], $0x0  }
0x19: {  	s7 =	sld [smem:$0x3F9F]  }
0x1a: {  	s8 =	sadd.s32 $0xFFFFE003, lr  }
0x1b: {  	s9 =	sadd.s32 $0xFFFFFEF7, lr;
	s5 =	simm.s32 $0xFFFFFFFF;
	p2 =	slt.u32 s8, $0xFFFFF086  }
0x1c: {  	p1 =	slt.u32 s9, $0xF7A;
	s5 =	simm.s32 @!p2 $0x0  }
0x1d: {  	s5 =	simm.s32 @p1 $0x1;
	p0 =	seq.s32 s7, s2  }
0x1e: {  	s7 =	smul.u32 @!p0 $0xF7A, s2;
	p2 =	seq.s32 @!p0 s5, $0x0  }
0x1f: {  	s9 =	smul.u32 $0xF7A, s1;
	s8 =	simm.s32 @!p0 $0x1BF5;
	p2 =	por !p2, p0  }
0x20: {  	[sflag:s8] =	ssyncset.s32 @!p0 $0xFFFFF086;
	s6 =	sadd.s32 @!p0 s3, s7;
	s7 =	simm.s32 @!p0 $0x108  }
0x21: {  	s3 =	sadd.s32 s3, s9;
	s6 =	sadd.s32 @!p0 $0x88, s6;
	s7 =	simm.s32 @p2 $0x1082  }
0x22: {  	[simem:s7], [sflag:s8] =	dma.local @!p0 [hbm:s6], $0xF7A  }
0x23: {  	s9 =	sor.u32 $0xD0000000, s2;
	s6 =	simm.s32 $0x108;
	_ =	swait.ge @!p0 [sflag:s8], $0x0  }
0x24: {  	s3 =	sadd.s32 $0x88, s3;
	s6 =	simm.s32 @!p1 $0x1082;
	[sflag:s4] =	ssyncset.s32 $0xFFFFF086  }
0x25: {  	[simem:s6], [sflag:s4] =	dma.local [hbm:s3], $0xF7A  }
0x26: {  	[smem:$0x3F9F] =	sst s1;
	(tag) =	ssettag s2;
	_ =	strace s9  }
0x27: {  	s1 =	sld [smem:$0x3FAF]  }
0x28: {  	s2 =	sld [smem:$0x3FB0]  }
0x29: {  	s4 =	sld [smem:$0x3FB2]  }
0x2a: {  	p0 =	seq.s32 s5, $0x0;
	s5 =	sld [smem:$0x3FB3]  }
0x2b: {  	s6 =	sld [smem:$0x3FB4]  }
0x2c: {  	s7 =	sld [smem:$0x3FB5]  }
0x2d: {  	s3 =	simm.s32 $0x108;
	s8 =	sld [smem:$0x3FB6]  }
0x2e: {  	s3 =	simm.s32 @!p0 $0x1082;
	s9 =	sld [smem:$0x3FB7]  }
0x2f: {  	lr =	sadd.s32 s0, s3;
	s0 =	sld [smem:$0x3FAE]  }
0x30: {  	s3 =	sld [smem:$0x3FB1]  }
0x31: {  	[smem:$0x3FBA] =	sst s10  }
0x32: {  	s10 =	sld [smem:$0x3FB8];
	_ =	sdelay $0x3  }
0x33: {  	p0 =	seq.s32 s10, $0x1;
	s10 =	sld [smem:$0x3FBA];
	_ =	sdelay $0x3  }
0x34: {  	[smem:$0x3FBA] =	sst s10  }
0x35: {  	s10 =	sld [smem:$0x3FB9];
	_ =	sdelay $0x3  }
0x36: {  	p1 =	seq.s32 s10, $0x1;
	s10 =	sld [smem:$0x3FBA];
	_ =	sdelay $0x3  }
0x37: {  	[smem:$0x3FBA] =	sst s10  }
0x38: {  	s10 =	sld [smem:$0x3FBB]  }
0x39: {  	_ = 	snop;
	(pc) =	sbr.ind lr, $3  }
0x3a: {  	_ = 	snop  }
0x3b: {  	_ = 	snop  }
0x3c: {  	p2 =	seq.s32 s10, $0x1;
	s10 =	sld [smem:$0x3FBA]  }
0x3d: {  	_ =	shalt  }
0x3e: {  	_ =	shalt  }
0x3f: {  	_ =	shalt  }
0x40: {  	_ =	shalt  }
0x41: {  	_ =	shalt  }
0x42: {  	_ =	shalt  }
0x43: {  	_ =	shalt  }
0x44: {  	_ =	shalt  }
0x45: {  	_ =	shalt  }
0x46: {  	_ =	shalt  }
0x47: {  	_ =	shalt  }
0x48: {  	_ =	shalt  }
0x49: {  	_ =	shalt  }
0x4a: {  	_ =	shalt  }
0x4b: {  	_ =	shalt  }
0x4c: {  	_ =	shalt  }
0x4d: {  	_ =	shalt  }
0x4e: {  	_ =	shalt  }
0x4f: {  	_ =	shalt  }
0x50: {  	_ =	shalt  }
0x51: {  	_ =	shalt  }
0x52: {  	_ =	shalt  }
0x53: {  	_ =	shalt  }
0x54: {  	_ =	shalt  }
0x55: {  	_ =	shalt  }
0x56: {  	_ =	shalt  }
0x57: {  	_ =	shalt  }
0x58: {  	_ =	shalt  }
0x59: {  	_ =	shalt  }
0x5a: {  	_ =	shalt  }
0x5b: {  	_ =	shalt  }
0x5c: {  	_ =	shalt  }
0x5d: {  	_ =	shalt  }
0x5e: {  	_ =	shalt  }
0x5f: {  	_ =	shalt  }
0x60: {  	_ =	shalt  }
0x61: {  	_ =	shalt  }
0x62: {  	_ =	shalt  }
0x63: {  	_ =	shalt  }
0x64: {  	_ =	shalt  }
0x65: {  	_ =	shalt  }
0x66: {  	_ =	shalt  }
0x67: {  	_ =	shalt  }
0x68: {  	_ =	shalt  }
0x69: {  	_ =	shalt  }
0x6a: {  	_ =	shalt  }
0x6b: {  	_ =	shalt  }
0x6c: {  	_ =	shalt  }
0x6d: {  	_ =	shalt  }
0x6e: {  	_ =	shalt  }
0x6f: {  	_ =	shalt  }
0x70: {  	_ =	shalt  }
0x71: {  	_ =	shalt  }
0x72: {  	_ =	shalt  }
0x73: {  	_ =	shalt  }
0x74: {  	_ =	shalt  }
0x75: {  	_ =	shalt  }
0x76: {  	_ =	shalt  }
0x77: {  	_ =	shalt  }
0x78: {  	_ =	shalt  }
0x79: {  	_ =	shalt  }
0x7a: {  	_ =	shalt  }
0x7b: {  	_ =	shalt  }
0x7c: {  	_ =	shalt  }
0x7d: {  	_ =	shalt  }
0x7e: {  	_ =	shalt  }
0x7f: {  	_ =	shalt  }
0x80: {  	_ =	shalt  }
0x81: {  	_ =	shalt  }
0x82: {  	_ =	shalt  }
0x83: {  	_ =	shalt  }
0x84: {  	_ =	shalt  }
0x85: {  	_ =	shalt  }
0x86: {  	_ =	shalt  }
0x87: {  	_ =	shalt  }
.Lfunc_end0:
.L_simem_size_0:
called_computation_lowered:
.L_overlay_start_0:
0x88: {  	s2 =	sld [smem:$0x3FD9]  }
0x89: {  	s3 =	sld [smem:$0x3FFE];
	_ =	sdelay $0x1  }
0x8a: {  	s1 =	srdreg.scid  }
0x8b: {  	s0 =	sand.u32 $0x1, s1  }
0x8c: {  	s17 =	sshll.u32 s0, $0xA;
	s2 =	sadd.s32 s3, s2  }
0x8d: {  	s2 =	sadd.s32 s2, s17  }
0x8e: {  	[smem:$0x3FC6] =	sst s2  }
0x8f: {  	_ = 	snop  }
0x90: {  	s2 =	sld [smem:$0x3FD0];
	(tm) =	ssettm $0x1  }
0x91: {  	s18 =	sld [smem:$0x3FFB];
	_ =	sdelay $0x3  }
0x92: {  	_ =	strace s18  }
0x93: {  	s3 =	sld [smem:$0x3FFC];
	_ =	sdelay $0x3  }
0x94: {  	_ =	strace s3  }
0x95: {  	s3 =	sld [smem:$0x3FFD];
	_ =	sdelay $0x3  }
0x96: {  	_ =	strace s3  }
0x97: {  	_ =	strace $0x8FFFFFFF  }
0x98: {  	s19 =	sld [smem:$0x3FDB];
	_ =	sdelay $0x1  }
0x99: {  	s4 =	simm.s32 $_scs_section_size  }
0x9a: {  	s5 =	simm.s32 $_size__tile_overlayer_lowered;
	s6 =	simm.s32 $_tile_overlayer_lowered  }
0x9b: {  	s22 =	simm.s32 $0x1BFF;
	s21 =	sshll.u32 s6, $0x1;
	s3 =	sadd.s32 s4, s19  }
0x9c: {  	s7 =	simm.s32 $0x0;
	s20 =	sshll.u32 s5, $0x1;
	s5 =	sadd.s32 s21, s3  }
0x9d: {  	[timem:s7], [sflag:s22] =	dma.local [hbm:s5], s20  }
0x9e: {  	_ =	swait.ge [sflag:s22], s20  }
0x9f: {  	s4 =	ssub.s32 $0x0, s20;
	[sflag:s22] =	ssyncset.done $0x0  }
0xa0: {  	[sflag:s22] =	ssyncadd.s32 s4;
	_ =	sdelay $0x1  }
0xa1: {  	s23 =	simm.s32 $0x1B8B  }
0xa2: {  	_ =	swait.ge [sflag:s23], $0x1  }
0xa3: {  	[sflag:s23] =	ssyncset.done $0x0  }
0xa4: {  	s25 =	simm.s32 $0x1B8E;
	s24 =	sld [smem:$0x3FFE];
	[sflag:s23] =	ssyncadd.s32 $0xFFFFFFFF  }
0xa5: {  	s26 =	simm.s32 $execute0_lowered;
	[smem:$0x3FD2] =	sst s25  }
0xa6: {  	s5 =	sshll.u32 s26, $0x1;
	_ =	strace $0x80000046;
	[dreg:$0x1] =	wrdreg $0xFFFFFFFF  }
0xa7: {  	s28 =	simm.s32 $_size_execute0_lowered;
	s3 =	sadd.s32 s3, s5;
	[dreg:$0x0] =	wrdreg $0x0  }
0xa8: {  	s5 =	sshll.u32 s28, $0x1;
	[dreg:$0x2] =	wrdreg s3  }
0xa9: {  	[dreg:$0x3] =	wrdreg s5  }
0xaa: {  	[dreg:$0x4] =	wrdreg $0xC0  }
0xab: {  	_ =	task [dreg:s7], $0x5FFFF  }
0xac: {  	[dreg:$0x1] =	wrdreg $0xFFFFFFFF  }
0xad: {  	[dreg:$0x0] =	wrdreg $0x60  }
0xae: {  	[dreg:$0x2] =	wrdreg s24  }
0xaf: {  	[dreg:$0x3] =	wrdreg s2  }
0xb0: {  	[dreg:$0x4] =	wrdreg $0x1F8800  }
0xb1: {  	[dreg:$0x5] =	wrdreg $0x9  }
0xb2: {  	_ =	task.clear_ibuf [dreg:s7], $0x6FFFF;
	_ =	strace $0x90000046  }
0xb3: {  	s29 =	simm.s32 $0x9;
	_ =	strace $0x80000048  }
0xb4: {  	_ =	swait.ge [sflag:s29], $0x1  }
0xb5: {  	[sflag:s29] =	ssyncadd.s32 $0xFFFFFFFF  }
0xb6: {  	_ =	strace $0x90000048  }
0xb7: {  	_ =	sfence  }
0xb8: {  	s30 =	sld [smem:$0x0];
	_ =	sdelay $0x2  }
0xb9: {  	s31 =	sshll.u32 s1, $0xD;
	s1 =	sshrl.u32 s1, $0x2  }
0xba: {  	s3 =	sand.u32 $0x4000, s31;
	s1 =	sadd.s32 s1, s30  }
0xbb: {  	s0 =	sor.u32 s3, s0;
	s1 =	sshll.u32 s1, $0x11  }
0xbc: {  	s0 =	sor.u32 s1, s0  }
0xbd: {  	s0 =	sadd.s32 $0x8F2B, s0  }
0xbe: {  	[sflag:s0] =	ssyncadd.remote.s32 $0x1  }
0xbf: {  	_ =	sfence.sel $0xFFFF  }
0xc0: {  	[dreg:$0x0] =	wrdreg $0xFFFFFFFF;
	(pc) =	sbr.abs _section_cstart, $3  }
0xc1: {  	[dreg:$0x1] =	wrdreg $0xFFFFFFFF  }
0xc2: {  	_ =	task.clear_ibuf [dreg:s7], $0x2FFFF;
	_ =	strace $0x9FFFFFFF  }
0xc3: {  	(tm) =	ssettm $0x7FFFFFFF  }
tec
execute0_lowered:
.L_overlay_start_1:
0x0: {  	(tag) =	ssettag $0x1  }
0x1: {  	s4 =	rddreg [dreg:$0x0]  }
0x2: {  	s5 =	rddreg [dreg:$0x1]  }
0x3: {  	s9 =	rddreg [dreg:$0x2];
	s2 =	simm.s32 $0x0  }
0x4: {  	s0 =	stileid.u32;
	s3 =	srdreg.scid;
	s16 =	simm.s32 $0x19F80  }
0x5: {  	s17 =	simm.s32 $0x1AC00;
	s18 =	simm.s32 $0x1;
	s19 =	simm.s32 $0x1B880  }
0x6: {  	s20 =	simm.s32 $0x2;
	s21 =	simm.s32 $0x1000;
	s22 =	simm.s32 $0x8000  }
0x7: {  	s23 =	simm.s32 $0x0;
	[smem:$0x7FF] =	sst s2;
	s6 =	sand.u32 $0x3, s0  }
0x8: {  	s7 =	sand.u32 $0x1, s3;
	s3 =	sadd.s32 $0x400, s4;
	s28 =	sadd.s32 $0x1, s0  }
0x9: {  	s11 =	sshrl.u32 s0, $0x2;
	_ =	strace $0x80000047;
	s13 =	smul.u32 $0x30D4, s6  }
0xa: {  	s8 =	sshll.u32 s6, $0xE;
	s10 =	ssub.s32 $0x2, s7;
	s29 =	smul.u32 $0x6200, s6  }
0xb: {  	s7 =	sshll.u32 s7, $0xB;
	s14 =	sshll.u32 s11, $0x9;
	s6 =	smul.u32 $0x620, s11  }
0xc: {  	s12 =	sadd.s32 s8, s4;
	s26 =	sshrl.u32 s10, $0x1;
	s8 =	sand.u32 $0x3, s28  }
0xd: {  	s4 =	sor.u32 s7, s14;
	s14 =	simm.s32 $0x3;
	s8 =	smul.u32 $0x6200, s8  }
0xe: {  	s15 =	ssub.s32 s10, s26;
	s5 =	sadd.s32 s5, s13;
	s30 =	sshrl.u32 s29, $0x2  }
0xf: {  	v0 =	vlaneseq.u32;
	s31 =	smul.u32 $0x19, s4;
	s11 =	sor.u32 $0x20, s4;
	s12 =	sadd.s32 s4, s12  }
0x10: {  	v1 =	vmul.u32 $0xC8, v0;
	s12 =	sadd.s32 $0x19400, s12;
	s13 =	smax.u32 s15, $0x1;
	s8 =	sshrl.u32 s8, $0x2  }
0x11: {  	s15 =	simm.s32 $0x18700;
	s10 =	sadd.s32 s3, s31;
	s8 =	sadd.s32 s8, s9  }
0x12: {  	v3 =	vimm.s32 $0x0;
	v4 =	vimm.f32 $-1.000000000e+00;
	v2 =	vor.u32 $0x1, v1;
	s9 =	sadd.s32 s30, s9;
	s7 =	sadd.s32 s6, s8;
	s8 =	sadd.s32 $0x18700, s6  }
.LBB2_1:
0x13: {  	s24 =	sadd.s32 $0x0, s6  }
0x14: {  	v5 =	vor.u32 s24, v0  }
0x15: {  	v6 =	vshll.u32 v5, $0x4  }
0x16: {  	v7 =	vor.u32 $0xD, v6;
	v8 =	vor.u32 $0xE, v6;
	v9 =	vor.u32 $0xF, v6  }
0x17: {  	v10 =	vor.u32 $0xA, v6;
	v11 =	vor.u32 $0xB, v6;
	v12 =	vor.u32 $0xC, v6  }
0x18: {  	vm0 =	vlt.s32 v6, $0x1869F;
	v13 =	vor.u32 $0x1, v6;
	v14 =	vor.u32 $0x9, v6  }
0x19: {  	v16 =	vor.u32 $0x2, v6;
	v17 =	vor.u32 $0x3, v6;
	v18 =	vor.u32 $0x4, v6  }
0x1a: {  	v19 =	vor.u32 $0x5, v6;
	v15 =	vnsel vm0, $0x1869F, v6;
	vm5 =	vlt.s32 v13, $0x1869F  }
0x1b: {  	[tilespmem:s2], [sflag:$0x3] =	stream.linear.gather [hbm4b:s5+s2], $0x186A0, $0x38;
	v20 =	vor.u32 $0x6, v6;
	vm6 =	vlt.s32 v16, $0x1869F;
	v13 =	vnsel vm5, $0x1869F, v13;
	[tilespmem:$0x1FEA0] =	vst v63  }
0x1c: {  	_ =	swait.ge [sflag:s14], $0x186A0;
	v21 =	vor.u32 $0x7, v6;
	vm7 =	vlt.s32 v17, $0x1869F;
	v16 =	vnsel vm6, $0x1869F, v16  }
0x1d: {  	[sflag:s14] =	ssyncset.done $0x0;
	vm8 =	vlt.s32 v18, $0x1869F;
	vm9 =	vlt.s32 v19, $0x1869F;
	v17 =	vnsel vm7, $0x1869F, v17  }
0x1e: {  	[sflag:s14] =	ssyncadd.s32 $0xFFFE7960;
	vm10 =	vlt.s32 v20, $0x1869F;
	vm11 =	vlt.s32 v21, $0x1869F;
	v18 =	vnsel vm8, $0x1869F, v18  }
0x1f: {  	v6 =	vor.u32 $0x8, v6;
	vm1 =	vlt.s32 v9, $0x1869F;
	v19 =	vnsel vm9, $0x1869F, v19;
	v15 =	vld.idx.msk [tilespmem:v15+s2+$0x0], $0xffff  }
0x20: {  	vm13 =	vlt.s32 v14, $0x1869F;
	vm2 =	vlt.s32 v8, $0x1869F;
	v20 =	vnsel vm10, $0x1869F, v20;
	v13 =	vld.idx.msk [tilespmem:v13+s2+$0x0], $0xffff  }
0x21: {  	vm14 =	vlt.s32 v10, $0x1869F;
	v21 =	vnsel vm11, $0x1869F, v21;
	vm12 =	vlt.s32 v6, $0x1869F;
	v16 =	vld.idx.msk [tilespmem:v16+s2+$0x0], $0xffff  }
0x22: {  	vm3 =	vlt.s32 v7, $0x1869F;
	vm15 =	vlt.s32 v11, $0x1869F;
	v6 =	vnsel vm12, $0x1869F, v6;
	v17 =	vld.idx.msk [tilespmem:v17+s2+$0x0], $0xffff  }
0x23: {  	vm4 =	vlt.s32 v12, $0x1869F;
	v14 =	vnsel vm13, $0x1869F, v14;
	v10 =	vnsel vm14, $0x1869F, v10;
	v18 =	vld.idx.msk [tilespmem:v18+s2+$0x0], $0xffff  }
0x24: {  	v11 =	vnsel vm15, $0x1869F, v11;
	v8 =	vnsel vm2, $0x1869F, v8;
	v9 =	vnsel vm1, $0x1869F, v9;
	v19 =	vld.idx.msk [tilespmem:v19+s2+$0x0], $0xffff  }
0x25: {  	v12 =	vnsel vm4, $0x1869F, v12;
	v7 =	vnsel vm3, $0x1869F, v7;
	v20 =	vld.idx.msk [tilespmem:v20+s2+$0x0], $0xffff;
	v13 =	vshrl.u32 v13, $0x1C  }
0x26: {  	v21 =	vld.idx.msk [tilespmem:v21+s2+$0x0], $0xffff;
	v15 =	vshrl.u32 v15, $0x1E;
	v16 =	vshrl.u32 v16, $0x1A;
	v13 =	vand.u32 $0xC, v13  }
0x27: {  	v6 =	vld.idx.msk [tilespmem:v6+s2+$0x0], $0xffff;
	v53 =	vshrl.u32 v17, $0x18;
	v52 =	vand.u32 $0x30, v16;
	v13 =	vor.u32 v15, v13  }
0x28: {  	v14 =	vld.idx.msk [tilespmem:v14+s2+$0x0], $0xffff;
	v55 =	vshrl.u32 v18, $0x16;
	v54 =	vand.u32 $0xC0, v53;
	v13 =	vor.u32 v52, v13  }
0x29: {  	v10 =	vld.idx.msk [tilespmem:v10+s2+$0x0], $0xffff;
	v57 =	vshrl.u32 v19, $0x14;
	v56 =	vand.u32 $0x300, v55;
	v13 =	vor.u32 v54, v13  }
0x2a: {  	v11 =	vld.idx.msk [tilespmem:v11+s2+$0x0], $0xffff;
	v59 =	vshrl.u32 v20, $0x12;
	v58 =	vand.u32 $0xC00, v57;
	v13 =	vor.u32 v56, v13  }
0x2b: {  	v12 =	vld.idx.msk [tilespmem:v12+s2+$0x0], $0xffff;
	v61 =	vshrl.u32 v21, $0x10;
	v60 =	vand.u32 $0x3000, v59;
	v13 =	vor.u32 v58, v13  }
0x2c: {  	v7 =	vld.idx.msk [tilespmem:v7+s2+$0x0], $0xffff;
	v62 =	vand.u32 $0xC000, v61;
	v6 =	vshrl.u32 v6, $0xE;
	v13 =	vor.u32 v60, v13  }
0x2d: {  	v8 =	vld.idx.msk [tilespmem:v8+s2+$0x0], $0xffff;
	v14 =	vshrl.u32 v14, $0xC;
	v6 =	vand.u32 $0x30000, v6;
	v13 =	vor.u32 v62, v13  }
0x2e: {  	v10 =	vshrl.u32 v10, $0xA;
	v63 =	vand.u32 $0xC0000, v14;
	v6 =	vor.u32 v6, v13  }
0x2f: {  	v9 =	vld.idx.msk [tilespmem:v9+s2+$0x0], $0xffff;
	v11 =	vshrl.u32 v11, $0x8;
	v10 =	vand.u32 $0x300000, v10;
	v6 =	vor.u32 v63, v6  }
0x30: {  	v6 =	vor.u32 v10, v6;
	v10 =	vand.u32 $0xC00000, v11;
	v11 =	vshrl.u32 v12, $0x6  }
0x31: {  	v7 =	vshrl.u32 v7, $0x4;
	v6 =	vor.u32 v10, v6;
	v10 =	vand.u32 $0x3000000, v11  }
0x32: {  	v8 =	vshrl.u32 v8, $0x2;
	v7 =	vand.u32 $0xC000000, v7;
	v6 =	vor.u32 v10, v6  }
0x33: {  	s31 =	sadd.s32 $0x10, s6;
	v8 =	vand.u32 $0x30000000, v8;
	v7 =	vor.u32 v7, v6  }
0x34: {  	v9 =	vand.u32 $0xC0000000, v9;
	v6 =	vor.u32 s31, v0;
	v8 =	vor.u32 v8, v7  }
0x35: {  	s24 =	simm.s32 $0x20;
	v7 =	vshll.u32 v6, $0x4;
	v8 =	vor.u32 v9, v8  }
.LBB2_2:
0x36: {  	p0 =	sne.s32 s24, $0x610;
	v9 =	vor.u32 $0xD, v7;
	v10 =	vor.u32 $0xE, v7;
	v11 =	vor.u32 $0xF, v7;
	[tilespmem:v5+s15+$0x0] =	vst.idx.msk $0xffff, v8;
	v5 =	vmovc v6  }
0x37: {  	v6 =	vor.u32 $0xA, v7;
	v8 =	vor.u32 $0xB, v7;
	v12 =	vor.u32 $0xC, v7  }
0x38: {  	vm0 =	vlt.s32 v7, $0x1869F;
	v13 =	vor.u32 $0x1, v7;
	v14 =	vor.u32 $0x9, v7  }
0x39: {  	v16 =	vor.u32 $0x2, v7;
	v15 =	vnsel vm0, $0x1869F, v7;
	vm0 =	vlt.s32 v13, $0x1869F  }
0x3a: {  	v17 =	vor.u32 $0x3, v7;
	v13 =	vnsel vm0, $0x1869F, v13;
	vm0 =	vlt.s32 v16, $0x1869F  }
0x3b: {  	v18 =	vor.u32 $0x4, v7;
	v16 =	vnsel vm0, $0x1869F, v16;
	vm0 =	vlt.s32 v17, $0x1869F  }
0x3c: {  	v19 =	vor.u32 $0x5, v7;
	v17 =	vnsel vm0, $0x1869F, v17;
	vm0 =	vlt.s32 v18, $0x1869F  }
0x3d: {  	v20 =	vor.u32 $0x6, v7;
	v18 =	vnsel vm0, $0x1869F, v18;
	vm0 =	vlt.s32 v19, $0x1869F  }
0x3e: {  	v21 =	vor.u32 $0x7, v7;
	v19 =	vnsel vm0, $0x1869F, v19;
	vm0 =	vlt.s32 v20, $0x1869F;
	v15 =	vld.idx.msk [tilespmem:v15+s2+$0x0], $0xffff  }
0x3f: {  	v7 =	vor.u32 $0x8, v7;
	v20 =	vnsel vm0, $0x1869F, v20;
	vm0 =	vlt.s32 v21, $0x1869F;
	v13 =	vld.idx.msk [tilespmem:v13+s2+$0x0], $0xffff  }
0x40: {  	vm1 =	vlt.s32 v11, $0x1869F;
	v21 =	vnsel vm0, $0x1869F, v21;
	vm0 =	vlt.s32 v7, $0x1869F;
	v16 =	vld.idx.msk [tilespmem:v16+s2+$0x0], $0xffff  }
0x41: {  	vm2 =	vlt.s32 v10, $0x1869F;
	v7 =	vnsel vm0, $0x1869F, v7;
	vm0 =	vlt.s32 v14, $0x1869F;
	v17 =	vld.idx.msk [tilespmem:v17+s2+$0x0], $0xffff  }
0x42: {  	vm3 =	vlt.s32 v9, $0x1869F;
	v14 =	vnsel vm0, $0x1869F, v14;
	vm0 =	vlt.s32 v6, $0x1869F;
	v18 =	vld.idx.msk [tilespmem:v18+s2+$0x0], $0xffff  }
0x43: {  	vm4 =	vlt.s32 v12, $0x1869F;
	v6 =	vnsel vm0, $0x1869F, v6;
	vm0 =	vlt.s32 v8, $0x1869F;
	v19 =	vld.idx.msk [tilespmem:v19+s2+$0x0], $0xffff  }
0x44: {  	v10 =	vnsel vm2, $0x1869F, v10;
	v11 =	vnsel vm1, $0x1869F, v11;
	v8 =	vnsel vm0, $0x1869F, v8;
	v20 =	vld.idx.msk [tilespmem:v20+s2+$0x0], $0xffff  }
0x45: {  	v12 =	vnsel vm4, $0x1869F, v12;
	v9 =	vnsel vm3, $0x1869F, v9;
	v13 =	vshrl.u32 v13, $0x1C;
	v21 =	vld.idx.msk [tilespmem:v21+s2+$0x0], $0xffff  }
0x46: {  	v15 =	vshrl.u32 v15, $0x1E;
	v13 =	vand.u32 $0xC, v13;
	v16 =	vshrl.u32 v16, $0x1A;
	v7 =	vld.idx.msk [tilespmem:v7+s2+$0x0], $0xffff  }
0x47: {  	v13 =	vor.u32 v15, v13;
	v15 =	vand.u32 $0x30, v16;
	v16 =	vshrl.u32 v17, $0x18;
	v14 =	vld.idx.msk [tilespmem:v14+s2+$0x0], $0xffff  }
0x48: {  	v13 =	vor.u32 v15, v13;
	v15 =	vand.u32 $0xC0, v16;
	v16 =	vshrl.u32 v18, $0x16;
	v6 =	vld.idx.msk [tilespmem:v6+s2+$0x0], $0xffff  }
0x49: {  	v13 =	vor.u32 v15, v13;
	v15 =	vand.u32 $0x300, v16;
	v16 =	vshrl.u32 v19, $0x14;
	v8 =	vld.idx.msk [tilespmem:v8+s2+$0x0], $0xffff  }
0x4a: {  	v13 =	vor.u32 v15, v13;
	v15 =	vand.u32 $0xC00, v16;
	v16 =	vshrl.u32 v20, $0x12;
	v12 =	vld.idx.msk [tilespmem:v12+s2+$0x0], $0xffff  }
0x4b: {  	v13 =	vor.u32 v15, v13;
	v15 =	vand.u32 $0x3000, v16;
	v16 =	vshrl.u32 v21, $0x10;
	v9 =	vld.idx.msk [tilespmem:v9+s2+$0x0], $0xffff  }
0x4c: {  	v13 =	vor.u32 v15, v13;
	v15 =	vand.u32 $0xC000, v16;
	v7 =	vshrl.u32 v7, $0xE;
	v10 =	vld.idx.msk [tilespmem:v10+s2+$0x0], $0xffff  }
0x4d: {  	v13 =	vor.u32 v15, v13;
	v7 =	vand.u32 $0x30000, v7;
	v14 =	vshrl.u32 v14, $0xC  }
0x4e: {  	v7 =	vor.u32 v7, v13;
	v13 =	vand.u32 $0xC0000, v14;
	v6 =	vshrl.u32 v6, $0xA;
	v11 =	vld.idx.msk [tilespmem:v11+s2+$0x0], $0xffff  }
0x4f: {  	v7 =	vor.u32 v13, v7;
	v6 =	vand.u32 $0x300000, v6;
	v8 =	vshrl.u32 v8, $0x8  }
0x50: {  	v6 =	vor.u32 v6, v7;
	v7 =	vand.u32 $0xC00000, v8;
	v8 =	vshrl.u32 v12, $0x6  }
.Ltmp0:
0x51: {  	v6 =	vor.u32 v7, v6;
	v7 =	vand.u32 $0x3000000, v8;
	v8 =	vshrl.u32 v9, $0x4;
	(pc) =	sbr.rel @p0 .LBB2_2-.Ltmp0, $4  }
0x52: {  	v6 =	vor.u32 v7, v6;
	v7 =	vand.u32 $0xC000000, v8;
	v8 =	vshrl.u32 v10, $0x2  }
0x53: {  	s25 =	sadd.s32 s6, s24;
	v7 =	vor.u32 v7, v6;
	v8 =	vand.u32 $0x30000000, v8  }
0x54: {  	v6 =	vor.u32 s25, v0;
	v8 =	vor.u32 v8, v7;
	v9 =	vand.u32 $0xC0000000, v11  }
0x55: {  	s24 =	sadd.s32 $0x10, s24;
	v7 =	vshll.u32 v6, $0x4;
	v8 =	vor.u32 v9, v8  }
0x56: {  	v9 =	vor.u32 $0xD, v7;
	v10 =	vor.u32 $0xE, v7;
	v11 =	vor.u32 $0xF, v7  }
0x57: {  	v12 =	vor.u32 $0xA, v7;
	v13 =	vor.u32 $0xB, v7;
	v14 =	vor.u32 $0xC, v7  }
0x58: {  	vm0 =	vlt.s32 v7, $0x1869F;
	v15 =	vor.u32 $0x1, v7;
	v16 =	vor.u32 $0x9, v7  }
0x59: {  	v18 =	vor.u32 $0x2, v7;
	v19 =	vor.u32 $0x3, v7;
	v20 =	vor.u32 $0x4, v7  }
0x5a: {  	v21 =	vor.u32 $0x5, v7;
	v17 =	vnsel vm0, $0x1869F, v7;
	vm5 =	vlt.s32 v15, $0x1869F  }
0x5b: {  	v22 =	vor.u32 $0x6, v7;
	vm6 =	vlt.s32 v18, $0x1869F;
	v15 =	vnsel vm5, $0x1869F, v15  }
0x5c: {  	v49 =	vor.u32 $0x7, v7;
	vm7 =	vlt.s32 v19, $0x1869F;
	v18 =	vnsel vm6, $0x1869F, v18  }
0x5d: {  	vm8 =	vlt.s32 v20, $0x1869F;
	vm9 =	vlt.s32 v21, $0x1869F;
	v19 =	vnsel vm7, $0x1869F, v19  }
0x5e: {  	[tilespmem:v5+s15+$0x0] =	vst.idx.msk $0xffff, v8;
	vm10 =	vlt.s32 v22, $0x1869F;
	vm11 =	vlt.s32 v49, $0x1869F;
	v20 =	vnsel vm8, $0x1869F, v20  }
0x5f: {  	v7 =	vor.u32 $0x8, v7;
	vm1 =	vlt.s32 v11, $0x1869F;
	v5 =	vnsel vm9, $0x1869F, v21;
	v17 =	vld.idx.msk [tilespmem:v17+s2+$0x0], $0xffff  }
0x60: {  	vm13 =	vlt.s32 v16, $0x1869F;
	vm2 =	vlt.s32 v10, $0x1869F;
	v50 =	vnsel vm10, $0x1869F, v22;
	v15 =	vld.idx.msk [tilespmem:v15+s2+$0x0], $0xffff  }
0x61: {  	vm14 =	vlt.s32 v12, $0x1869F;
	v8 =	vnsel vm11, $0x1869F, v49;
	vm12 =	vlt.s32 v7, $0x1869F;
	v18 =	vld.idx.msk [tilespmem:v18+s2+$0x0], $0xffff  }
0x62: {  	vm3 =	vlt.s32 v9, $0x1869F;
	vm15 =	vlt.s32 v13, $0x1869F;
	v7 =	vnsel vm12, $0x1869F, v7;
	v19 =	vld.idx.msk [tilespmem:v19+s2+$0x0], $0xffff  }
0x63: {  	vm4 =	vlt.s32 v14, $0x1869F;
	v16 =	vnsel vm13, $0x1869F, v16;
	v12 =	vnsel vm14, $0x1869F, v12;
	v20 =	vld.idx.msk [tilespmem:v20+s2+$0x0], $0xffff  }
0x64: {  	v13 =	vnsel vm15, $0x1869F, v13;
	v10 =	vnsel vm2, $0x1869F, v10;
	v11 =	vnsel vm1, $0x1869F, v11;
	v5 =	vld.idx.msk [tilespmem:v5+s2+$0x0], $0xffff  }
0x65: {  	v14 =	vnsel vm4, $0x1869F, v14;
	v9 =	vnsel vm3, $0x1869F, v9;
	v21 =	vld.idx.msk [tilespmem:v50+s2+$0x0], $0xffff;
	v15 =	vshrl.u32 v15, $0x1C  }
0x66: {  	v8 =	vld.idx.msk [tilespmem:v8+s2+$0x0], $0xffff;
	v17 =	vshrl.u32 v17, $0x1E;
	v18 =	vshrl.u32 v18, $0x1A;
	v15 =	vand.u32 $0xC, v15  }
0x67: {  	v7 =	vld.idx.msk [tilespmem:v7+s2+$0x0], $0xffff;
	v52 =	vshrl.u32 v19, $0x18;
	v51 =	vand.u32 $0x30, v18;
	v15 =	vor.u32 v17, v15  }
0x68: {  	v16 =	vld.idx.msk [tilespmem:v16+s2+$0x0], $0xffff;
	v54 =	vshrl.u32 v20, $0x16;
	v53 =	vand.u32 $0xC0, v52;
	v15 =	vor.u32 v51, v15  }
0x69: {  	v12 =	vld.idx.msk [tilespmem:v12+s2+$0x0], $0xffff;
	v5 =	vshrl.u32 v5, $0x14;
	v55 =	vand.u32 $0x300, v54;
	v15 =	vor.u32 v53, v15  }
0x6a: {  	v13 =	vld.idx.msk [tilespmem:v13+s2+$0x0], $0xffff;
	v56 =	vshrl.u32 v21, $0x12;
	v5 =	vand.u32 $0xC00, v5;
	v15 =	vor.u32 v55, v15  }
0x6b: {  	v14 =	vld.idx.msk [tilespmem:v14+s2+$0x0], $0xffff;
	v8 =	vshrl.u32 v8, $0x10;
	v57 =	vand.u32 $0x3000, v56;
	v5 =	vor.u32 v5, v15  }
0x6c: {  	v9 =	vld.idx.msk [tilespmem:v9+s2+$0x0], $0xffff;
	v8 =	vand.u32 $0xC000, v8;
	v7 =	vshrl.u32 v7, $0xE;
	v5 =	vor.u32 v57, v5  }
0x6d: {  	v10 =	vld.idx.msk [tilespmem:v10+s2+$0x0], $0xffff;
	v58 =	vshrl.u32 v16, $0xC;
	v7 =	vand.u32 $0x30000, v7;
	v5 =	vor.u32 v8, v5  }
0x6e: {  	v59 =	vshrl.u32 v12, $0xA;
	v5 =	vor.u32 v7, v5;
	v7 =	vand.u32 $0xC0000, v58  }
0x6f: {  	v11 =	vld.idx.msk [tilespmem:v11+s2+$0x0], $0xffff;
	v60 =	vshrl.u32 v13, $0x8;
	v5 =	vor.u32 v7, v5;
	v7 =	vand.u32 $0x300000, v59  }
0x70: {  	v61 =	vshrl.u32 v14, $0x6;
	v5 =	vor.u32 v7, v5;
	v7 =	vand.u32 $0xC00000, v60  }
0x71: {  	v62 =	vshrl.u32 v9, $0x4;
	v5 =	vor.u32 v7, v5;
	v7 =	vand.u32 $0x3000000, v61  }
0x72: {  	v63 =	vshrl.u32 v10, $0x2;
	v5 =	vor.u32 v7, v5;
	v7 =	vand.u32 $0xC000000, v62  }
0x73: {  	v5 =	vor.u32 v7, v5;
	v7 =	vand.u32 $0x30000000, v63  }
0x74: {  	v5 =	vor.u32 v7, v5;
	v7 =	vand.u32 $0xC0000000, v11  }
0x75: {  	v5 =	vor.u32 v7, v5  }
0x76: {  	[tilespmem:v6+s15+$0x0] =	vst.idx.msk $0xffff, v5  }
0x77: {  	[spmem:s7] =	stream.linear.scatter [tilespmem:s8], [sflag:$0x3], $0x620, $0x38;
	[tilespmem:$0x1FEA0] =	vst v63  }
0x78: {  	_ =	swait.ge [sflag:s14], $0x620  }
0x79: {  	[sflag:s14] =	ssyncset.done $0x0  }
0x7a: {  	[sflag:s14] =	ssyncadd.s32 $0xFFFFF9E0  }
0x7b: {  	[bflag:$0x0] =	sbarrier.arrive $0xFFFF  }
0x7c: {  	[tilespmem:s15], [sflag:$0x3] =	stream.linear.gather [spmem:s9], $0x1880, $0x38;
	[tilespmem:$0x1FEA0] =	vst v63  }
0x7d: {  	_ =	swait.ge [sflag:s14], $0x1880  }
0x7e: {  	[sflag:s14] =	ssyncset.done $0x0  }
0x7f: {  	s24 =	simm.s32 $0x0;
	[sflag:s14] =	ssyncadd.s32 $0xFFFFE780  }
0x80: {  	[tilespmem:s16], [sflag:$0x1] =	stream.linear.gather [hbm4b:s10+s24], $0xC80, $0x38;
	[tilespmem:$0x1FEA0] =	vst v63  }
.LBB2_4:
0x81: {  	s26 =	sshll.u32 s24, $0x5  }
0x82: {  	s25 =	sor.u32 $0x10, s26  }
0x83: {  	s28 =	sadd.s32 s4, s25  }
0x84: {  	s28 =	smul.u32 $0x19, s28;
	_ =	sdelay $0x1  }
0x85: {  	s29 =	simm.s32 $0x7;
	s28 =	sadd.s32 s3, s28  }
0x86: {  	[tilespmem:s17], [sflag:$0x2] =	stream.linear.gather [hbm4b:s28+s2], $0xC80, $0x38;
	[tilespmem:$0x1FEA0] =	vst v63  }
0x87: {  	s31 =	simm.s32 $0x2;
	v11 =	vadd.s32 s29, v1;
	_ =	swait.ge [sflag:s18], $0xC80  }
0x88: {  	v14 =	vadd.s32 s31, v1;
	[sflag:s18] =	ssyncset.done $0x0  }
0x89: {  	s28 =	simm.s32 $0x3;
	[sflag:s18] =	ssyncadd.s32 $0xFFFFF380  }
0x8a: {  	v9 =	vadd.s32 s28, v1;
	v6 =	vld.idx.msk [tilespmem:v1+s16+$0x0], $0xffff  }
0x8b: {  	s28 =	simm.s32 $0x6;
	v7 =	vld.idx.msk [tilespmem:v2+s16+$0x0], $0xffff  }
0x8c: {  	v10 =	vadd.s32 s28, v1;
	s28 =	simm.s32 $0x5;
	v11 =	vld.idx.msk [tilespmem:v11+s16+$0x0], $0xffff  }
0x8d: {  	v13 =	vadd.s32 s28, v1;
	s28 =	simm.s32 $0x4;
	v14 =	vld.idx.msk [tilespmem:v14+s16+$0x0], $0xffff  }
0x8e: {  	v15 =	vadd.s32 s28, v1  }
0x8f: {  	v9 =	vld.idx.msk [tilespmem:v9+s16+$0x0], $0xffff;
	v5 =	vshrl.u32 v6, $0x4  }
0x90: {  	v8 =	vshrl.u32 v7, $0x4  }
0x91: {  	v10 =	vld.idx.msk [tilespmem:v10+s16+$0x0], $0xffff;
	v16 =	vshll.u32 v6, $0x1;
	vm0 =	vne.s32 v6, $0x0;
	vm2 =	vne.s32 v7, $0x0  }
0x92: {  	v13 =	vld.idx.msk [tilespmem:v13+s16+$0x0], $0xffff;
	v22 =	vshrl.u32 v11, $0x4;
	v23 =	vshll.u32 v11, $0x1;
	v26 =	vshrl.u32 v14, $0x4  }
0x93: {  	v15 =	vld.idx.msk [tilespmem:v15+s16+$0x0], $0xffff;
	v28 =	vshll.u32 v14, $0x1;
	vm1 =	vne.s32 v11, $0x0;
	vm8 =	vne.s32 v14, $0x0  }
0x94: {  	v16 =	vand.u32 $0x1E, v16;
	vm0 =	vmmov vm0;
	v24 =	vshrl.u32 v9, $0x4;
	v5 =	vld.idx.msk [tilespmem:v5+s15+$0x0], $0xffff  }
0x95: {  	v25 =	vshll.u32 v9, $0x1;
	vm0 =	vmand vm0, vm2;
	vm4 =	vne.s32 v9, $0x0;
	v12 =	vld.idx.msk [tilespmem:v7+s2+$0x0], $0xffff  }
0x96: {  	v19 =	vshrl.u32 v10, $0x4;
	v20 =	vshll.u32 v10, $0x1;
	vm6 =	vne.s32 v10, $0x0;
	v8 =	vld.idx.msk [tilespmem:v8+s15+$0x0], $0xffff  }
0x97: {  	v18 =	vld.idx.msk [tilespmem:v6+s2+$0x0], $0xffff;
	vm5 =	vmand vm0, vm8;
	vm8 =	vmand vm8, vm4;
	v29 =	vshrl.u32 v13, $0x4  }
0x98: {  	v6 =	vld.idx.msk [tilespmem:v11+s2+$0x0], $0xffff;
	vm7 =	vne.s32 v13, $0x0;
	vm3 =	vmand vm6, vm1;
	v27 =	vshrl.u32 v15, $0x4  }
0x99: {  	vm2 =	vmand vm8, vm2;
	v21 =	vld.idx.msk [tilespmem:v9+s2+$0x0], $0xffff;
	v5 =	vshrl.u32 v5, v16;
	v16 =	vshll.u32 v7, $0x1  }
0x9a: {  	v30 =	vshll.u32 v15, $0x1;
	vm9 =	vne.s32 v15, $0x0;
	v10 =	vld.idx.msk [tilespmem:v10+s2+$0x0], $0xffff;
	v16 =	vand.u32 $0x1E, v16  }
0x9b: {  	s28 =	simm.s32 $0x8;
	vm0 =	vmand vm3, vm7;
	vm7 =	vmand vm9, vm7;
	v11 =	vld.idx.msk [tilespmem:v13+s2+$0x0], $0xffff;
	v8 =	vshrl.u32 v8, v16  }
0x9c: {  	v9 =	vld.idx.msk [tilespmem:v24+s15+$0x0], $0xffff;
	v16 =	vadd.s32 s28, v1;
	v7 =	vand.u32 $0x3, v8;
	v8 =	vshll.u32 v12, $0x2  }
0x9d: {  	v24 =	vld.idx.msk [tilespmem:v27+s15+$0x0], $0xffff;
	v12 =	vshll.u32 v12, $0x1;
	v8 =	vor.u32 v8, v7;
	v7 =	vshrl.u32 v7, $0x1  }
0x9e: {  	v18 =	vshll.u32 v18, $0x2;
	v17 =	vand.u32 $0x3, v5;
	v7 =	vor.u32 v12, v7;
	v12 =	vld.idx.msk [tilespmem:v29+s15+$0x0], $0xffff  }
0x9f: {  	vm6 =	vmand vm7, vm6;
	vm4 =	vmand vm7, vm4;
	v17 =	vor.u32 v18, v17;
	v29 =	vld.idx.msk [tilespmem:v15+s2+$0x0], $0xffff  }
0xa0: {  	v27 =	vand.u32 $0x1E, v30;
	v17 =	vxor.u32 v17, v7;
	v7 =	vshll.u32 v13, $0x1;
	v13 =	vld.idx.msk [tilespmem:v22+s15+$0x0], $0xffff  }
0xa1: {  	v18 =	vand.u32 $0x1E, v20;
	v20 =	vand.u32 $0x1E, v23;
	v23 =	vand.u32 $0x1E, v25;
	v31 =	vld.idx.msk [tilespmem:v16+s16+$0x0], $0xffff  }
0xa2: {  	v5 =	vimm.s32 $0x0;
	v35 =	vshll.u32 v10, $0x2;
	v9 =	vshrl.u32 v9, v23;
	v16 =	vld.idx.msk [tilespmem:v19+s15+$0x0], $0xffff  }
0xa3: {  	v14 =	vld.idx.msk [tilespmem:v14+s2+$0x0], $0xffff;
	v32 =	vshll.u32 v11, $0x1;
	v23 =	vshll.u32 v21, $0x1;
	v9 =	vand.u32 $0x3, v9  }
0xa4: {  	v26 =	vld.idx.msk [tilespmem:v26+s15+$0x0], $0xffff;
	v30 =	vshrl.u32 v9, $0x1;
	v22 =	vand.u32 $0x1E, v28;
	v7 =	vand.u32 $0x1E, v7  }
0xa5: {  	v28 =	vshll.u32 v6, $0x1;
	v19 =	vsel vm5, $0x1, v3;
	v7 =	vshrl.u32 v12, v7  }
0xa6: {  	v12 =	vshll.u32 v11, $0x2;
	v34 =	vshll.u32 v29, $0x1;
	v13 =	vshrl.u32 v13, v20  }
0xa7: {  	v20 =	vand.u32 $0x3, v7;
	v25 =	vshll.u32 v31, $0x1;
	v16 =	vshrl.u32 v16, v18  }
0xa8: {  	v18 =	vshrl.u32 v24, v27;
	v24 =	vshll.u32 v14, $0x2;
	v7 =	vand.u32 $0x3, v13  }
0xa9: {  	v12 =	vor.u32 v12, v20;
	v13 =	vshrl.u32 v26, v22;
	v22 =	vshll.u32 v14, $0x1  }
0xaa: {  	v26 =	vshll.u32 v21, $0x2;
	v27 =	vshll.u32 v29, $0x2;
	v14 =	vxor.u32 v14, v17  }
0xab: {  	v17 =	vor.u32 v23, v30;
	v13 =	vand.u32 $0x3, v13;
	v18 =	vand.u32 $0x3, v18  }
0xac: {  	v63 =	vand.u32 $0x3, v16;
	v9 =	vor.u32 v26, v9;
	v26 =	vshrl.u32 v31, $0x4  }
0xad: {  	v16 =	vshrl.u32 v20, $0x1;
	v14 =	vnsel vm5, $0x0, v14;
	vm5 =	vmand vm8, vm9  }
0xae: {  	v30 =	vand.u32 $0x1E, v25;
	v33 =	vshrl.u32 v13, $0x1;
	v15 =	vshrl.u32 v18, $0x1  }
0xaf: {  	v18 =	vor.u32 v27, v18;
	v13 =	vor.u32 v24, v13;
	v24 =	vshll.u32 v10, $0x1  }
0xb0: {  	v20 =	vor.u32 v32, v16;
	v22 =	vor.u32 v22, v33;
	v15 =	vor.u32 v34, v15  }
0xb1: {  	v13 =	vxor.u32 v17, v13;
	v17 =	vxor.u32 v20, v18;
	v18 =	vor.u32 v35, v63  }
0xb2: {  	v9 =	vxor.u32 v15, v9;
	v15 =	vshrl.u32 v63, $0x1;
	v8 =	vxor.u32 v22, v8  }
0xb3: {  	v22 =	vshrl.u32 v7, $0x1;
	v13 =	vxor.u32 v29, v13;
	v10 =	vxor.u32 v10, v17  }
0xb4: {  	v17 =	vimm.s32 $0x0;
	v9 =	vxor.u32 v11, v9;
	v11 =	vadd.s32 v19, v5  }
0xb5: {  	v16 =	vld.idx.msk [tilespmem:v31+s2+$0x0], $0xffff;
	v19 =	vsel vm2, $0x1, v3;
	v15 =	vor.u32 v24, v15;
	v8 =	vxor.u32 v21, v8  }
0xb6: {  	v20 =	vor.u32 v28, v22;
	v22 =	vsel vm6, $0x1, v3;
	v10 =	vnsel vm6, $0x0, v10  }
0xb7: {  	v11 =	vadd.s32 v19, v11;
	v19 =	vsel vm5, $0x1, v3;
	v8 =	vnsel vm2, $0x0, v8  }
0xb8: {  	vm2 =	vne.s32 v31, $0x0;
	v18 =	vxor.u32 v20, v18;
	v12 =	vxor.u32 v15, v12  }
0xb9: {  	v9 =	vnsel vm4, $0x0, v9;
	vm3 =	vmand vm3, vm2;
	v23 =	vand.u32 v14, v8  }
0xba: {  	v12 =	vxor.u32 v6, v12;
	v21 =	vadd.s32 v19, v11;
	v15 =	vxor.u32 v16, v18  }
0xbb: {  	v18 =	vxor.u32 v14, v8;
	v8 =	vnsel vm5, $0x0, v13;
	v11 =	vnsel vm0, $0x0, v12  }
0xbc: {  	v12 =	vimm.s32 $0x0;
	v13 =	vand.u32 v18, v8;
	v8 =	vxor.u32 v18, v8  }
0xbd: {  	v14 =	vld.idx.msk [tilespmem:v26+s15+$0x0], $0xffff;
	v20 =	vnsel vm3, $0x0, v15;
	v13 =	vxor.u32 v23, v13;
	v24 =	vand.u32 v8, v9  }
0xbe: {  	v15 =	vimm.s32 $0x0;
	v8 =	vxor.u32 v8, v9;
	v25 =	vxor.u32 v13, v24  }
0xbf: {  	v9 =	vand.u32 v8, v10;
	v8 =	vxor.u32 v8, v10;
	v10 =	vimm.s32 $0x0  }
0xc0: {  	v27 =	vxor.u32 v25, v9;
	v28 =	vand.u32 v8, v11;
	v31 =	vxor.u32 v8, v11  }
0xc1: {  	v26 =	vand.u32 v13, v9;
	v11 =	vimm.s32 $0x0;
	v13 =	vimm.s32 $0x0  }
0xc2: {  	s28 =	simm.s32 $0xF;
	v29 =	vxor.u32 v27, v28;
	v30 =	vshrl.u32 v14, v30;
	v14 =	vimm.s32 $0x0  }
.LBB2_5:
0xc3: {  	v9 =	vmov v10;
	v8 =	vmov v5;
	s29 =	sadd.s32 $0xFFFFFFFB, s28;
	v18 =	vand.u32 v31, v20  }
0xc4: {  	s30 =	sadd.s32 $0xFFFFFFFC, s28;
	s31 =	sadd.s32 $0xFFFFFFFD, s28;
	v19 =	vxor.u32 v31, v20;
	v30 =	vand.u32 $0x3, v30;
	v31 =	vmovc v6;
	vm5 =	vmmov vm1;
	s0 =	smov.u32 s28  }
0xc5: {  	s1 =	sadd.s32 $0xFFFFFFFA, s28;
	v6 =	vadd.s32 s29, v1;
	v32 =	vadd.s32 s30, v1;
	s29 =	sadd.s32 $0xFFFFFFFE, s28;
	s30 =	sadd.s32 $0xFFFFFFFF, s28;
	v20 =	vxor.u32 v18, v29  }
0xc6: {  	p0 =	sne.s32 s28, $0xC5;
	v29 =	vadd.s32 s1, v1;
	s28 =	sadd.s32 $0x7, s28;
	v34 =	vand.u32 v14, v19;
	v33 =	vadd.s32 s29, v1  }
0xc7: {  	v35 =	vadd.s32 s31, v1;
	v36 =	vadd.s32 s30, v1;
	v37 =	vxor.u32 v17, v20  }
0xc8: {  	v27 =	vand.u32 v27, v18;
	v17 =	vand.u32 v17, v20;
	v18 =	vand.u32 v34, v37  }
0xc9: {  	v25 =	vand.u32 v25, v28;
	v20 =	vshll.u32 v16, $0x2;
	v28 =	vor.u32 v17, v18  }
0xca: {  	v14 =	vxor.u32 v14, v19;
	v20 =	vor.u32 v20, v30;
	v38 =	vld.idx.msk [tilespmem:v6+s16+$0x0], $0xffff;
	v6 =	vand.u32 v23, v24  }
0xcb: {  	v17 =	vxor.u32 v34, v37;
	v23 =	vsel vm4, $0x1, v3;
	v19 =	vld.idx.msk [tilespmem:v33+s16+$0x0], $0xffff;
	v6 =	vxor.u32 v6, v26  }
0xcc: {  	v24 =	vshrl.u32 v30, $0x1;
	v21 =	vadd.s32 v23, v21;
	v18 =	vld.idx.msk [tilespmem:v36+s16+$0x0], $0xffff;
	v6 =	vxor.u32 v25, v6  }
0xcd: {  	v21 =	vadd.s32 v22, v21;
	v22 =	vsel vm0, $0x1, v3;
	v25 =	vld.idx.msk [tilespmem:v35+s16+$0x0], $0xffff;
	v6 =	vxor.u32 v27, v6  }
0xce: {  	v21 =	vadd.s32 v22, v21;
	v22 =	vsel vm3, $0x1, v3;
	v26 =	vld.idx.msk [tilespmem:v29+s16+$0x0], $0xffff;
	v27 =	vxor.u32 v15, v6  }
0xcf: {  	v23 =	vadd.s32 v22, v21;
	v6 =	vand.u32 v15, v6;
	v29 =	vld.idx.msk [tilespmem:v32+s16+$0x0], $0xffff;
	v15 =	vand.u32 v27, v28  }
0xd0: {  	v30 =	vadd.s32 s0, v1;
	v32 =	vor.u32 v6, v15;
	v15 =	vxor.u32 v27, v28  }
0xd1: {  	v27 =	vshrl.u32 v19, $0x4;
	v28 =	vshll.u32 v19, $0x1;
	v33 =	vand.u32 v11, v32  }
0xd2: {  	v34 =	vshrl.u32 v18, $0x4;
	v35 =	vshll.u32 v18, $0x1;
	v22 =	vld.idx.msk [tilespmem:v38+s2+$0x0], $0xffff;
	v36 =	vand.u32 v10, v33  }
0xd3: {  	v37 =	vshrl.u32 v38, $0x4;
	v39 =	vshll.u32 v38, $0x1;
	v21 =	vld.idx.msk [tilespmem:v19+s2+$0x0], $0xffff;
	v40 =	vand.u32 v12, v36  }
0xd4: {  	vm1 =	vne.s32 v18, $0x0;
	v41 =	vshrl.u32 v26, $0x4;
	v42 =	vshll.u32 v26, $0x1;
	v6 =	vld.idx.msk [tilespmem:v18+s2+$0x0], $0xffff  }
0xd5: {  	vm6 =	vne.s32 v19, $0x0;
	v43 =	vshrl.u32 v29, $0x4;
	v44 =	vshll.u32 v29, $0x1;
	v45 =	vld.idx.msk [tilespmem:v25+s2+$0x0], $0xffff  }
0xd6: {  	v46 =	vshrl.u32 v25, $0x4;
	vm7 =	vne.s32 v25, $0x0;
	vm8 =	vne.s32 v26, $0x0;
	v19 =	vld.idx.msk [tilespmem:v30+s16+$0x0], $0xffff  }
0xd7: {  	vm0 =	vmand vm5, vm2;
	vm3 =	vmand vm6, vm1;
	v30 =	vand.u32 v5, v40;
	v27 =	vld.idx.msk [tilespmem:v27+s15+$0x0], $0xffff  }
0xd8: {  	vm4 =	vne.s32 v38, $0x0;
	vm5 =	vmand vm0, vm8;
	vm0 =	vmand vm3, vm7;
	v26 =	vld.idx.msk [tilespmem:v26+s2+$0x0], $0xffff  }
0xd9: {  	v31 =	vshll.u32 v31, $0x2;
	v16 =	vshll.u32 v16, $0x1;
	v38 =	vsel vm5, $0x1, v3;
	v37 =	vld.idx.msk [tilespmem:v37+s15+$0x0], $0xffff  }
0xda: {  	v7 =	vor.u32 v31, v7;
	v16 =	vor.u32 v16, v24;
	v13 =	vxor.u32 v13, v30;
	v24 =	vld.idx.msk [tilespmem:v43+s15+$0x0], $0xffff  }
0xdb: {  	v28 =	vand.u32 $0x1E, v28;
	v31 =	vand.u32 $0x1E, v35;
	v12 =	vxor.u32 v12, v36;
	v30 =	vld.idx.msk [tilespmem:v46+s15+$0x0], $0xffff  }
0xdc: {  	v16 =	vxor.u32 v7, v16;
	v7 =	vshll.u32 v25, $0x1;
	v5 =	vxor.u32 v5, v40;
	v25 =	vld.idx.msk [tilespmem:v34+s15+$0x0], $0xffff  }
0xdd: {  	v36 =	vand.u32 $0x1E, v39;
	v35 =	vand.u32 $0x1E, v42;
	v39 =	vshll.u32 v19, $0x1;
	v34 =	vld.idx.msk [tilespmem:v41+s15+$0x0], $0xffff  }
0xde: {  	v7 =	vand.u32 $0x1E, v7;
	v42 =	vshll.u32 v6, $0x1;
	v41 =	vand.u32 $0x1E, v44;
	v40 =	vld.idx.msk [tilespmem:v29+s2+$0x0], $0xffff  }
0xdf: {  	v11 =	vxor.u32 v11, v32;
	v27 =	vshrl.u32 v27, v28;
	v36 =	vshrl.u32 v37, v36  }
0xe0: {  	v10 =	vxor.u32 v10, v33;
	vm8 =	vmand vm8, vm4;
	v24 =	vshrl.u32 v24, v41  }
0xe1: {  	v28 =	vshll.u32 v22, $0x1;
	v7 =	vshrl.u32 v30, v7;
	v30 =	vshll.u32 v45, $0x2  }
0xe2: {  	v32 =	vand.u32 $0x3, v36;
	v33 =	vand.u32 $0x3, v7;
	v7 =	vshrl.u32 v25, v31  }
0xe3: {  	v25 =	vshll.u32 v26, $0x2;
	v7 =	vand.u32 $0x3, v7;
	v30 =	vor.u32 v30, v33  }
0xe4: {  	v31 =	vshrl.u32 v34, v35;
	v34 =	vshll.u32 v26, $0x1;
	v35 =	vshll.u32 v22, $0x2  }
0xe5: {  	v31 =	vand.u32 $0x3, v31;
	v36 =	vshll.u32 v40, $0x2  }
0xe6: {  	v41 =	vshll.u32 v45, $0x1;
	v37 =	vshrl.u32 v32, $0x1  }
0xe7: {  	v46 =	vshll.u32 v21, $0x2;
	v44 =	vshll.u32 v40, $0x1;
	v43 =	vshrl.u32 v31, $0x1  }
0xe8: {  	v27 =	vand.u32 $0x3, v27;
	v24 =	vand.u32 $0x3, v24;
	v34 =	vor.u32 v34, v43  }
0xe9: {  	vm9 =	vne.s32 v29, $0x0;
	v29 =	vshrl.u32 v24, $0x1;
	v24 =	vor.u32 v36, v24  }
0xea: {  	vm7 =	vmand vm9, vm7;
	v32 =	vor.u32 v35, v32;
	v29 =	vor.u32 v44, v29  }
0xeb: {  	vm6 =	vmand vm7, vm6;
	v25 =	vor.u32 v25, v31;
	v31 =	vshll.u32 v21, $0x1  }
0xec: {  	v35 =	vshrl.u32 v19, $0x4;
	v29 =	vxor.u32 v29, v32;
	v32 =	vshrl.u32 v27, $0x1  }
0xed: {  	v16 =	vxor.u32 v26, v16;
	v26 =	vor.u32 v28, v37;
	v28 =	vxor.u32 v45, v29  }
0xee: {  	vm2 =	vmand vm8, vm2;
	v23 =	vadd.s32 v38, v23;
	v20 =	vxor.u32 v34, v20  }
0xef: {  	v33 =	vshrl.u32 v33, $0x1;
	v29 =	vnsel vm5, $0x0, v16;
	v34 =	vsel vm2, $0x1, v3;
	v16 =	vld.idx.msk [tilespmem:v19+s2+$0x0], $0xffff  }
0xf0: {  	v33 =	vor.u32 v41, v33;
	v31 =	vor.u32 v31, v32;
	v32 =	vshrl.u32 v7, $0x1  }
0xf1: {  	vm5 =	vmand vm8, vm9;
	v20 =	vxor.u32 v22, v20;
	v34 =	vadd.s32 v34, v23  }
0xf2: {  	v24 =	vxor.u32 v33, v24;
	v22 =	vxor.u32 v26, v25;
	v23 =	vor.u32 v46, v27  }
0xf3: {  	v26 =	vsel vm5, $0x1, v3;
	v25 =	vxor.u32 v40, v22;
	v22 =	vor.u32 v42, v32  }
0xf4: {  	v27 =	vnsel vm2, $0x0, v20;
	vm2 =	vne.s32 v19, $0x0;
	v20 =	vxor.u32 v22, v23  }
0xf5: {  	v30 =	vxor.u32 v31, v30;
	vm3 =	vmand vm3, vm2;
	v20 =	vxor.u32 v16, v20  }
0xf6: {  	v32 =	vand.u32 $0x1E, v39;
	v31 =	vxor.u32 v29, v27;
	v20 =	vnsel vm3, $0x0, v20  }
0xf7: {  	vm4 =	vmand vm7, vm4;
	v23 =	vand.u32 v29, v27;
	v22 =	vsel vm6, $0x1, v3  }
0xf8: {  	v24 =	vxor.u32 v21, v24;
	v25 =	vnsel vm5, $0x0, v25;
	v27 =	vnsel vm4, $0x0, v28;
	v33 =	vld.idx.msk [tilespmem:v35+s15+$0x0], $0xffff  }
0xf9: {  	v28 =	vxor.u32 v6, v30;
	v21 =	vand.u32 v31, v25;
	v25 =	vxor.u32 v31, v25  }
.Ltmp1:
0xfa: {  	v29 =	vxor.u32 v23, v21;
	v21 =	vadd.s32 v26, v34;
	v26 =	vnsel vm6, $0x0, v24;
	(pc) =	sbr.rel @p0 .LBB2_5-.Ltmp1, $4  }
0xfb: {  	v30 =	vnsel vm0, $0x0, v28;
	v24 =	vand.u32 v25, v27;
	v27 =	vxor.u32 v25, v27  }
0xfc: {  	v25 =	vxor.u32 v29, v24;
	v34 =	vand.u32 v27, v26;
	v26 =	vxor.u32 v27, v26  }
0xfd: {  	v27 =	vxor.u32 v25, v34;
	v28 =	vand.u32 v26, v30;
	v31 =	vxor.u32 v26, v30  }
0xfe: {  	v26 =	vand.u32 v29, v34;
	v29 =	vxor.u32 v27, v28;
	v30 =	vshrl.u32 v33, v32  }
0xff: {  	v32 =	vadd.s32 $0xC6, v1;
	_ =	sdelay $0x2  }
0x100: {  	v33 =	vadd.s32 $0xC7, v1;
	v34 =	vsel vm4, $0x1, v3  }
0x101: {  	vm1 =	vne.s32 v19, $0x0;
	vm2 =	vne.s32 v18, $0x0;
	v18 =	vsel vm0, $0x1, v3  }
0x102: {  	v19 =	vsel vm3, $0x1, v3;
	v35 =	vand.u32 v31, v20;
	v20 =	vxor.u32 v31, v20;
	v32 =	vld.idx.msk [tilespmem:v32+s16+$0x0], $0xffff  }
0x103: {  	v25 =	vand.u32 v25, v28;
	v23 =	vand.u32 v23, v24;
	v6 =	vshll.u32 v6, $0x2  }
0x104: {  	vm14 =	vmand vm2, vm1;
	v62 =	vxor.u32 v35, v29;
	v23 =	vxor.u32 v23, v26  }
0x105: {  	v26 =	vand.u32 v14, v20;
	v27 =	vand.u32 v27, v35;
	v21 =	vadd.s32 v34, v21;
	v33 =	vld.idx.msk [tilespmem:v33+s16+$0x0], $0xffff  }
0x106: {  	v14 =	vxor.u32 v14, v20;
	v6 =	vor.u32 v6, v7;
	v7 =	vshll.u32 v16, $0x1  }
0x107: {  	v29 =	vxor.u32 v17, v62;
	v23 =	vxor.u32 v25, v23;
	v24 =	vshrl.u32 v32, $0x4  }
0x108: {  	v17 =	vand.u32 v17, v62;
	v25 =	vand.u32 v26, v29;
	v23 =	vxor.u32 v27, v23  }
0x109: {  	v16 =	vshll.u32 v16, $0x2;
	v17 =	vor.u32 v17, v25;
	v25 =	vxor.u32 v15, v23  }
0x10a: {  	v20 =	vadd.s32 v22, v21;
	v15 =	vand.u32 v15, v23;
	v23 =	vand.u32 v25, v17  }
0x10b: {  	v27 =	vand.u32 $0x3, v30;
	v18 =	vadd.s32 v18, v20;
	v15 =	vor.u32 v15, v23  }
0x10c: {  	s28 =	simm.s32 $0x0;
	v21 =	vxor.u32 v26, v29;
	v18 =	vadd.s32 v19, v18;
	v20 =	vand.u32 v11, v15;
	v24 =	vld.idx.msk [tilespmem:v24+s15+$0x0], $0xffff  }
0x10d: {  	v16 =	vor.u32 v16, v27;
	v17 =	vxor.u32 v25, v17;
	v19 =	vand.u32 v10, v20;
	v26 =	vld.idx.msk [tilespmem:v33+s28+$0x0], $0xffff  }
0x10e: {  	v25 =	vand.u32 v12, v19;
	v19 =	vxor.u32 v12, v19;
	vm13 =	vne.s32 v32, $0x0;
	v22 =	vld.idx.msk [tilespmem:v32+s28+$0x0], $0xffff  }
0x10f: {  	vm15 =	vne.s32 v33, $0x0;
	v23 =	vshll.u32 v32, $0x1;
	v63 =	vand.u32 v5, v25  }
0x110: {  	vm0 =	vmand vm14, vm13;
	vm2 =	vmand vm13, vm15;
	v23 =	vand.u32 $0x1E, v23  }
0x111: {  	vm1 =	vmand vm1, vm2;
	v23 =	vshrl.u32 v24, v23;
	v24 =	vshrl.u32 v27, $0x1  }
0x112: {  	v16 =	vxor.u32 v16, v26;
	v7 =	vor.u32 v7, v24;
	v23 =	vshrl.u32 v23, $0x1  }
0x113: {  	v24 =	vshll.u32 v22, $0x1;
	v23 =	vand.u32 $0x1, v23;
	v6 =	vxor.u32 v6, v7  }
0x114: {  	v7 =	vor.u32 v24, v23;
	v6 =	vxor.u32 v22, v6;
	v22 =	vxor.u32 v5, v25  }
0x115: {  	v5 =	vsel vm0, $0x1, v3;
	v7 =	vxor.u32 v7, v16;
	v16 =	vxor.u32 v13, v63  }
0x116: {  	v6 =	vnsel vm0, $0x0, v6;
	v13 =	vxor.u32 v11, v15;
	v7 =	vnsel vm1, $0x0, v7  }
0x117: {  	v15 =	vxor.u32 v10, v20;
	v5 =	vadd.s32 v5, v18;
	v12 =	vxor.u32 v6, v7  }
0x118: {  	v10 =	vsel vm1, $0x1, v3;
	v6 =	vand.u32 v6, v7;
	v11 =	vand.u32 v14, v12  }
0x119: {  	v5 =	vadd.s32 v10, v5;
	v7 =	vor.u32 v6, v11  }
0x11a: {  	v6 =	vxor.u32 v21, v6;
	v18 =	vand.u32 v21, v7;
	v7 =	vxor.u32 v14, v12  }
0x11b: {  	v10 =	vxor.u32 v11, v6;
	v20 =	vand.u32 v17, v18;
	v11 =	vxor.u32 v17, v18  }
0x11c: {  	v24 =	vshrl.u32 v10, s28;
	v6 =	vand.u32 v13, v20;
	v12 =	vxor.u32 v13, v20  }
0x11d: {  	v20 =	vmov s28;
	v23 =	vshrl.u32 v11, s28;
	v14 =	vand.u32 v9, v6  }
0x11e: {  	v9 =	vxor.u32 v15, v6;
	v6 =	vmov s26;
	v15 =	vor.u32 s26, v0  }
0x11f: {  	v18 =	vshrl.u32 v12, s28;
	v13 =	vxor.u32 v19, v14;
	v14 =	vand.u32 v19, v14  }
0x120: {  	v6 =	vshll.u32 v6, $0x3;
	v15 =	vand.u32 $0x6F, v15;
	v17 =	vand.u32 v8, v14  }
0x121: {  	v6 =	vand.u32 $0xC00, v6;
	v8 =	vxor.u32 v22, v14;
	v21 =	vshrl.u32 v13, s28  }
0x122: {  	v22 =	vshrl.u32 v7, s28;
	v14 =	vxor.u32 v16, v17;
	v6 =	vor.u32 v6, v15  }
0x123: {  	v15 =	vshrl.u32 v8, s28;
	v17 =	vshrl.u32 v9, s28;
	v16 =	vshrl.u32 v14, s28  }
0x124: {  	v19 =	vshll.u32 v15, $0x6;
	s28 =	simm.s32 $0x1;
	v15 =	vshll.u32 v16, $0x7;
	v16 =	vshll.u32 v20, $0x7  }
.LBB2_7:
0x125: {  	p0 =	sne.s32 s28, $0x1F;
	v24 =	vshll.u32 v24, $0x1;
	v21 =	vshll.u32 v21, $0x5;
	v20 =	vshll.u32 v20, $0x9  }
0x126: {  	v22 =	vand.u32 $0x1, v22;
	v23 =	vshll.u32 v23, $0x2;
	v24 =	vand.u32 $0x2, v24  }
0x127: {  	v18 =	vshll.u32 v18, $0x3;
	v23 =	vand.u32 $0x4, v23;
	v22 =	vor.u32 v22, v24  }
0x128: {  	v17 =	vshll.u32 v17, $0x4;
	v18 =	vand.u32 $0x8, v18;
	v22 =	vor.u32 v23, v22  }
0x129: {  	v19 =	vand.u32 $0x40, v19;
	v17 =	vand.u32 $0x10, v17;
	v18 =	vor.u32 v18, v22  }
0x12a: {  	v20 =	vand.u32 $0x3000, v20;
	v17 =	vor.u32 v17, v18;
	v18 =	vand.u32 $0x20, v21  }
0x12b: {  	v16 =	vand.u32 $0x380, v16;
	v17 =	vor.u32 v18, v17;
	v18 =	vor.u32 v20, v6  }
0x12c: {  	v15 =	vand.u32 $0x80, v15;
	v17 =	vor.u32 v19, v17;
	v16 =	vor.u32 v16, v18  }
0x12d: {  	v15 =	vor.u32 v15, v17  }
.Ltmp2:
0x12e: {  	v25 =	vshrl.u32 v14, s28;
	v19 =	vshrl.u32 v8, s28;
	v15 =	vshll.u32 v15, $0x1;
	(pc) =	sbr.rel @p0 .LBB2_7-.Ltmp2, $4  }
0x12f: {  	v21 =	vshrl.u32 v13, s28;
	v20 =	vmov s28;
	vm0 =	vlt.s32 v15, v5  }
0x130: {  	v18 =	vshrl.u32 v12, s28;
	v17 =	vshrl.u32 v9, s28;
	v15 =	vsel vm0, $0x3F800000, v4  }
0x131: {  	v24 =	vshrl.u32 v10, s28;
	v23 =	vshrl.u32 v11, s28;
	v22 =	vshrl.u32 v7, s28;
	[tilespmem:v16+s19+$0x0] =	vst.idx.msk $0xffff, v15  }
0x132: {  	v19 =	vshll.u32 v19, $0x6;
	s28 =	sadd.s32 $0x1, s28;
	v15 =	vshll.u32 v25, $0x7;
	v16 =	vshll.u32 v20, $0x7  }
0x133: {  	v7 =	vshll.u32 v24, $0x1;
	v8 =	vshll.u32 v21, $0x5;
	v9 =	vshll.u32 v20, $0x9  }
0x134: {  	v10 =	vand.u32 $0x1, v22;
	v11 =	vshll.u32 v23, $0x2;
	v7 =	vand.u32 $0x2, v7  }
0x135: {  	v7 =	vor.u32 v10, v7;
	v10 =	vand.u32 $0x4, v11;
	v11 =	vshll.u32 v18, $0x3  }
0x136: {  	v7 =	vor.u32 v10, v7;
	v10 =	vand.u32 $0x8, v11;
	v11 =	vshll.u32 v17, $0x4  }
0x137: {  	v9 =	vand.u32 $0x3000, v9;
	v7 =	vor.u32 v10, v7;
	v10 =	vand.u32 $0x10, v11  }
0x138: {  	v8 =	vand.u32 $0x20, v8;
	v6 =	vor.u32 v9, v6;
	v7 =	vor.u32 v10, v7  }
0x139: {  	v11 =	vand.u32 $0x40, v19;
	v7 =	vor.u32 v8, v7;
	v8 =	vand.u32 $0x380, v16  }
0x13a: {  	v9 =	vand.u32 $0x80, v15;
	v7 =	vor.u32 v11, v7;
	v6 =	vor.u32 v8, v6  }
0x13b: {  	p0 =	seq.s32 s24, $0xF;
	v7 =	vor.u32 v9, v7  }
0x13c: {  	s0 =	sadd.s32 @!p0 s26, s11;
	v7 =	vshll.u32 v7, $0x1  }
0x13d: {  	s0 =	smul.u32 @!p0 $0x19, s0;
	vm0 =	vlt.s32 v7, v5  }
0x13e: {  	s31 =	simm.s32 $0xC83;
	v5 =	vsel vm0, $0x3F800000, v4  }
0x13f: {  	s1 =	simm.s32 @!p0 $0x0;
	s26 =	simm.s32 @!p0 $0x19F80;
	s0 =	sadd.s32 @!p0 s3, s0;
	[tilespmem:v6+s19+$0x0] =	vst.idx.msk $0xffff, v5;
	v5 =	vadd.s32 $0xC80, v1  }
0x140: {  	v6 =	vadd.s32 $0xC81, v1;
	[tilespmem:s26], [sflag:$0x1] =	stream.linear.gather @!p0 [hbm4b:s0+s1], $0xC80, $0x38;
	[tilespmem:$0x1FEA0] =	vst v63  }
0x141: {  	s28 =	simm.s32 $0xC85;
	v9 =	vadd.s32 s31, v1;
	_ =	swait.ge [sflag:s20], $0xC80  }
0x142: {  	s29 =	simm.s32 $0xC82;
	v13 =	vadd.s32 s28, v1;
	[sflag:s20] =	ssyncset.done $0x0  }
0x143: {  	s30 =	simm.s32 $0xC84;
	v14 =	vadd.s32 s29, v1;
	[sflag:s20] =	ssyncadd.s32 $0xFFFFF380  }
0x144: {  	v15 =	vadd.s32 s30, v1;
	v7 =	vld.idx.msk [tilespmem:v5+s16+$0x0], $0xffff  }
0x145: {  	v6 =	vld.idx.msk [tilespmem:v6+s16+$0x0], $0xffff  }
0x146: {  	s1 =	simm.s32 $0xC86;
	v9 =	vld.idx.msk [tilespmem:v9+s16+$0x0], $0xffff  }
0x147: {  	s26 =	simm.s32 $0xC87;
	v10 =	vadd.s32 s1, v1;
	v13 =	vld.idx.msk [tilespmem:v13+s16+$0x0], $0xffff  }
0x148: {  	v11 =	vadd.s32 s26, v1;
	v14 =	vld.idx.msk [tilespmem:v14+s16+$0x0], $0xffff  }
0x149: {  	v15 =	vld.idx.msk [tilespmem:v15+s16+$0x0], $0xffff;
	_ =	sdelay $0x1  }
0x14a: {  	v5 =	vshrl.u32 v7, $0x4;
	v8 =	vshrl.u32 v6, $0x4  }
0x14b: {  	v10 =	vld.idx.msk [tilespmem:v10+s16+$0x0], $0xffff;
	v16 =	vshll.u32 v7, $0x1;
	vm0 =	vne.s32 v7, $0x0;
	vm2 =	vne.s32 v6, $0x0  }
0x14c: {  	v11 =	vld.idx.msk [tilespmem:v11+s16+$0x0], $0xffff;
	v24 =	vshrl.u32 v9, $0x4;
	v25 =	vshll.u32 v9, $0x1;
	v26 =	vshrl.u32 v14, $0x4  }
0x14d: {  	v27 =	vshrl.u32 v15, $0x4;
	v28 =	vshll.u32 v14, $0x1;
	v29 =	vshrl.u32 v13, $0x4  }
0x14e: {  	v30 =	vshll.u32 v15, $0x1;
	vm8 =	vne.s32 v14, $0x0;
	vm7 =	vne.s32 v13, $0x0;
	v12 =	vld.idx.msk [tilespmem:v6+s2+$0x0], $0xffff  }
0x14f: {  	vm4 =	vne.s32 v9, $0x0;
	vm9 =	vne.s32 v15, $0x0;
	v16 =	vand.u32 $0x1E, v16;
	v7 =	vld.idx.msk [tilespmem:v7+s2+$0x0], $0xffff  }
0x150: {  	vm0 =	vmmov vm0;
	v19 =	vshrl.u32 v10, $0x4;
	v20 =	vshll.u32 v10, $0x1;
	v5 =	vld.idx.msk [tilespmem:v5+s15+$0x0], $0xffff  }
0x151: {  	v22 =	vshrl.u32 v11, $0x4;
	vm1 =	vne.s32 v11, $0x0;
	vm6 =	vne.s32 v10, $0x0;
	v21 =	vld.idx.msk [tilespmem:v9+s2+$0x0], $0xffff  }
0x152: {  	v23 =	vshll.u32 v11, $0x1;
	vm0 =	vmand vm0, vm2;
	vm3 =	vmand vm6, vm1;
	v8 =	vld.idx.msk [tilespmem:v8+s15+$0x0], $0xffff  }
0x153: {  	vm5 =	vmand vm0, vm8;
	vm8 =	vmand vm8, vm4;
	vm0 =	vmand vm3, vm7;
	v9 =	vld.idx.msk [tilespmem:v24+s15+$0x0], $0xffff  }
0x154: {  	vm7 =	vmand vm9, vm7;
	vm2 =	vmand vm8, vm2;
	v24 =	vld.idx.msk [tilespmem:v27+s15+$0x0], $0xffff;
	v27 =	vand.u32 $0x1E, v30  }
0x155: {  	v10 =	vld.idx.msk [tilespmem:v10+s2+$0x0], $0xffff;
	vm6 =	vmand vm7, vm6;
	v5 =	vshrl.u32 v5, v16;
	v16 =	vshll.u32 v6, $0x1  }
0x156: {  	s31 =	simm.s32 $0xC88;
	v14 =	vld.idx.msk [tilespmem:v14+s2+$0x0], $0xffff;
	v7 =	vshll.u32 v7, $0x2;
	v17 =	vand.u32 $0x3, v5;
	v16 =	vand.u32 $0x1E, v16  }
0x157: {  	v8 =	vshrl.u32 v8, v16;
	v16 =	vadd.s32 s31, v1;
	v7 =	vor.u32 v7, v17;
	v17 =	vld.idx.msk [tilespmem:v29+s15+$0x0], $0xffff  }
0x158: {  	vm4 =	vmand vm7, vm4;
	v29 =	vld.idx.msk [tilespmem:v15+s2+$0x0], $0xffff;
	v6 =	vand.u32 $0x3, v8;
	v8 =	vshll.u32 v12, $0x2  }
0x159: {  	v12 =	vshll.u32 v12, $0x1;
	v8 =	vor.u32 v8, v6;
	v18 =	vshrl.u32 v6, $0x1;
	v6 =	vld.idx.msk [tilespmem:v11+s2+$0x0], $0xffff  }
0x15a: {  	v35 =	vshll.u32 v10, $0x2;
	v5 =	vimm.s32 $0x0;
	v11 =	vld.idx.msk [tilespmem:v13+s2+$0x0], $0xffff;
	v12 =	vor.u32 v12, v18  }
0x15b: {  	v18 =	vand.u32 $0x1E, v20;
	v12 =	vxor.u32 v7, v12;
	v7 =	vshll.u32 v13, $0x1;
	v13 =	vld.idx.msk [tilespmem:v22+s15+$0x0], $0xffff  }
0x15c: {  	v20 =	vand.u32 $0x1E, v23;
	v23 =	vand.u32 $0x1E, v25;
	v22 =	vand.u32 $0x1E, v28;
	v31 =	vld.idx.msk [tilespmem:v16+s16+$0x0], $0xffff  }
0x15d: {  	v9 =	vshrl.u32 v9, v23;
	v23 =	vshll.u32 v21, $0x1;
	v16 =	vld.idx.msk [tilespmem:v19+s15+$0x0], $0xffff;
	v19 =	vsel vm5, $0x1, v3  }
0x15e: {  	v7 =	vand.u32 $0x1E, v7;
	v9 =	vand.u32 $0x3, v9;
	v34 =	vshll.u32 v29, $0x1  }
0x15f: {  	v26 =	vld.idx.msk [tilespmem:v26+s15+$0x0], $0xffff;
	v12 =	vxor.u32 v14, v12;
	v7 =	vshrl.u32 v17, v7;
	v30 =	vshrl.u32 v9, $0x1  }
0x160: {  	v12 =	vnsel vm5, $0x0, v12;
	vm5 =	vmand vm8, vm9;
	v28 =	vshll.u32 v6, $0x1  }
0x161: {  	v17 =	vshll.u32 v11, $0x2;
	v32 =	vshll.u32 v11, $0x1;
	v13 =	vshrl.u32 v13, v20  }
0x162: {  	v20 =	vand.u32 $0x3, v7;
	v25 =	vshll.u32 v31, $0x1;
	v16 =	vshrl.u32 v16, v18  }
0x163: {  	v18 =	vshrl.u32 v24, v27;
	v24 =	vshll.u32 v14, $0x2;
	v7 =	vand.u32 $0x3, v13  }
0x164: {  	v13 =	vor.u32 v17, v20;
	v17 =	vshrl.u32 v26, v22;
	v22 =	vshll.u32 v14, $0x1  }
0x165: {  	v26 =	vshll.u32 v21, $0x2;
	v27 =	vshll.u32 v29, $0x2;
	v14 =	vor.u32 v23, v30  }
0x166: {  	v17 =	vand.u32 $0x3, v17;
	v18 =	vand.u32 $0x3, v18;
	v63 =	vand.u32 $0x3, v16  }
0x167: {  	v9 =	vor.u32 v26, v9;
	v26 =	vshrl.u32 v31, $0x4;
	v16 =	vshrl.u32 v20, $0x1  }
0x168: {  	v30 =	vand.u32 $0x1E, v25;
	v33 =	vshrl.u32 v17, $0x1;
	v15 =	vshrl.u32 v18, $0x1  }
0x169: {  	v18 =	vor.u32 v27, v18;
	v17 =	vor.u32 v24, v17;
	v24 =	vshll.u32 v10, $0x1  }
0x16a: {  	v20 =	vor.u32 v32, v16;
	v22 =	vor.u32 v22, v33;
	v15 =	vor.u32 v34, v15  }
0x16b: {  	v14 =	vxor.u32 v14, v17;
	v17 =	vxor.u32 v20, v18;
	v18 =	vor.u32 v35, v63  }
0x16c: {  	v9 =	vxor.u32 v15, v9;
	v15 =	vshrl.u32 v63, $0x1;
	v8 =	vxor.u32 v22, v8  }
0x16d: {  	v22 =	vshrl.u32 v7, $0x1;
	v14 =	vxor.u32 v29, v14;
	v10 =	vxor.u32 v10, v17  }
0x16e: {  	v17 =	vimm.s32 $0x0;
	v9 =	vxor.u32 v11, v9;
	v11 =	vadd.s32 v19, v5  }
0x16f: {  	v16 =	vld.idx.msk [tilespmem:v31+s2+$0x0], $0xffff;
	v19 =	vsel vm2, $0x1, v3;
	v15 =	vor.u32 v24, v15;
	v8 =	vxor.u32 v21, v8  }
0x170: {  	v20 =	vor.u32 v28, v22;
	v22 =	vsel vm6, $0x1, v3;
	v10 =	vnsel vm6, $0x0, v10  }
0x171: {  	v11 =	vadd.s32 v19, v11;
	v19 =	vsel vm5, $0x1, v3;
	v8 =	vnsel vm2, $0x0, v8  }
0x172: {  	vm2 =	vne.s32 v31, $0x0;
	v18 =	vxor.u32 v20, v18;
	v13 =	vxor.u32 v15, v13  }
0x173: {  	v9 =	vnsel vm4, $0x0, v9;
	vm3 =	vmand vm3, vm2;
	v23 =	vand.u32 v12, v8  }
0x174: {  	v13 =	vxor.u32 v6, v13;
	v21 =	vadd.s32 v19, v11;
	v15 =	vxor.u32 v16, v18  }
0x175: {  	v18 =	vxor.u32 v12, v8;
	v8 =	vnsel vm5, $0x0, v14;
	v11 =	vnsel vm0, $0x0, v13  }
0x176: {  	v13 =	vimm.s32 $0x0;
	v12 =	vand.u32 v18, v8;
	v8 =	vxor.u32 v18, v8  }
0x177: {  	v14 =	vld.idx.msk [tilespmem:v26+s15+$0x0], $0xffff;
	v20 =	vnsel vm3, $0x0, v15;
	v12 =	vxor.u32 v23, v12;
	v24 =	vand.u32 v8, v9  }
0x178: {  	v15 =	vimm.s32 $0x0;
	v8 =	vxor.u32 v8, v9;
	v25 =	vxor.u32 v12, v24  }
0x179: {  	v9 =	vand.u32 v8, v10;
	v8 =	vxor.u32 v8, v10;
	v10 =	vimm.s32 $0x0  }
0x17a: {  	v27 =	vxor.u32 v25, v9;
	v28 =	vand.u32 v8, v11;
	v31 =	vxor.u32 v8, v11  }
0x17b: {  	v26 =	vand.u32 v12, v9;
	v11 =	vimm.s32 $0x0;
	v12 =	vimm.s32 $0x0  }
0x17c: {  	s26 =	simm.s32 $0xC8F;
	v29 =	vxor.u32 v27, v28;
	v30 =	vshrl.u32 v14, v30;
	v14 =	vimm.s32 $0x0  }
.LBB2_9:
0x17d: {  	v9 =	vmov v10;
	v8 =	vmov v5;
	s0 =	sadd.s32 $0xFFFFFFFB, s26;
	v18 =	vand.u32 v31, v20  }
0x17e: {  	s1 =	sadd.s32 $0xFFFFFFFC, s26;
	s28 =	sadd.s32 $0xFFFFFFFD, s26;
	v19 =	vxor.u32 v31, v20;
	v30 =	vand.u32 $0x3, v30;
	v31 =	vmovc v6;
	vm5 =	vmmov vm1;
	s29 =	smov.u32 s26  }
0x17f: {  	s30 =	sadd.s32 $0xFFFFFFFA, s26;
	v6 =	vadd.s32 s0, v1;
	v32 =	vadd.s32 s1, v1;
	s0 =	sadd.s32 $0xFFFFFFFE, s26;
	s1 =	sadd.s32 $0xFFFFFFFF, s26;
	v20 =	vxor.u32 v18, v29  }
0x180: {  	p0 =	sne.s32 s26, $0xD45;
	v29 =	vadd.s32 s30, v1;
	s26 =	sadd.s32 $0x7, s26;
	v34 =	vand.u32 v14, v19;
	v33 =	vadd.s32 s0, v1  }
0x181: {  	v35 =	vadd.s32 s28, v1;
	v36 =	vadd.s32 s1, v1;
	v37 =	vxor.u32 v17, v20  }
0x182: {  	v27 =	vand.u32 v27, v18;
	v17 =	vand.u32 v17, v20;
	v18 =	vand.u32 v34, v37  }
0x183: {  	v25 =	vand.u32 v25, v28;
	v20 =	vshll.u32 v16, $0x2;
	v28 =	vor.u32 v17, v18  }
0x184: {  	v14 =	vxor.u32 v14, v19;
	v20 =	vor.u32 v20, v30;
	v38 =	vld.idx.msk [tilespmem:v6+s16+$0x0], $0xffff;
	v6 =	vand.u32 v23, v24  }
0x185: {  	v17 =	vxor.u32 v34, v37;
	v23 =	vsel vm4, $0x1, v3;
	v19 =	vld.idx.msk [tilespmem:v33+s16+$0x0], $0xffff;
	v6 =	vxor.u32 v6, v26  }
0x186: {  	v24 =	vshrl.u32 v30, $0x1;
	v21 =	vadd.s32 v23, v21;
	v18 =	vld.idx.msk [tilespmem:v36+s16+$0x0], $0xffff;
	v6 =	vxor.u32 v25, v6  }
0x187: {  	v21 =	vadd.s32 v22, v21;
	v22 =	vsel vm0, $0x1, v3;
	v25 =	vld.idx.msk [tilespmem:v35+s16+$0x0], $0xffff;
	v6 =	vxor.u32 v27, v6  }
0x188: {  	v21 =	vadd.s32 v22, v21;
	v22 =	vsel vm3, $0x1, v3;
	v26 =	vld.idx.msk [tilespmem:v29+s16+$0x0], $0xffff;
	v27 =	vxor.u32 v15, v6  }
0x189: {  	v23 =	vadd.s32 v22, v21;
	v6 =	vand.u32 v15, v6;
	v29 =	vld.idx.msk [tilespmem:v32+s16+$0x0], $0xffff;
	v15 =	vand.u32 v27, v28  }
0x18a: {  	v30 =	vadd.s32 s29, v1;
	v32 =	vor.u32 v6, v15;
	v15 =	vxor.u32 v27, v28  }
0x18b: {  	v27 =	vshrl.u32 v19, $0x4;
	v28 =	vshll.u32 v19, $0x1;
	v33 =	vand.u32 v11, v32  }
0x18c: {  	v34 =	vshrl.u32 v18, $0x4;
	v35 =	vshll.u32 v18, $0x1;
	v22 =	vld.idx.msk [tilespmem:v38+s2+$0x0], $0xffff;
	v36 =	vand.u32 v10, v33  }
0x18d: {  	v37 =	vshrl.u32 v38, $0x4;
	v39 =	vshll.u32 v38, $0x1;
	v21 =	vld.idx.msk [tilespmem:v19+s2+$0x0], $0xffff;
	v40 =	vand.u32 v12, v36  }
0x18e: {  	vm1 =	vne.s32 v18, $0x0;
	v41 =	vshrl.u32 v26, $0x4;
	v42 =	vshll.u32 v26, $0x1;
	v6 =	vld.idx.msk [tilespmem:v18+s2+$0x0], $0xffff  }
0x18f: {  	vm6 =	vne.s32 v19, $0x0;
	v43 =	vshrl.u32 v29, $0x4;
	v44 =	vshll.u32 v29, $0x1;
	v45 =	vld.idx.msk [tilespmem:v25+s2+$0x0], $0xffff  }
0x190: {  	v46 =	vshrl.u32 v25, $0x4;
	vm7 =	vne.s32 v25, $0x0;
	vm8 =	vne.s32 v26, $0x0;
	v19 =	vld.idx.msk [tilespmem:v30+s16+$0x0], $0xffff  }
0x191: {  	vm0 =	vmand vm5, vm2;
	vm3 =	vmand vm6, vm1;
	v30 =	vand.u32 v5, v40;
	v27 =	vld.idx.msk [tilespmem:v27+s15+$0x0], $0xffff  }
0x192: {  	vm4 =	vne.s32 v38, $0x0;
	vm5 =	vmand vm0, vm8;
	vm0 =	vmand vm3, vm7;
	v26 =	vld.idx.msk [tilespmem:v26+s2+$0x0], $0xffff  }
0x193: {  	v31 =	vshll.u32 v31, $0x2;
	v16 =	vshll.u32 v16, $0x1;
	v38 =	vsel vm5, $0x1, v3;
	v37 =	vld.idx.msk [tilespmem:v37+s15+$0x0], $0xffff  }
0x194: {  	v7 =	vor.u32 v31, v7;
	v16 =	vor.u32 v16, v24;
	v13 =	vxor.u32 v13, v30;
	v24 =	vld.idx.msk [tilespmem:v43+s15+$0x0], $0xffff  }
0x195: {  	v28 =	vand.u32 $0x1E, v28;
	v31 =	vand.u32 $0x1E, v35;
	v12 =	vxor.u32 v12, v36;
	v30 =	vld.idx.msk [tilespmem:v46+s15+$0x0], $0xffff  }
0x196: {  	v16 =	vxor.u32 v7, v16;
	v7 =	vshll.u32 v25, $0x1;
	v5 =	vxor.u32 v5, v40;
	v25 =	vld.idx.msk [tilespmem:v34+s15+$0x0], $0xffff  }
0x197: {  	v36 =	vand.u32 $0x1E, v39;
	v35 =	vand.u32 $0x1E, v42;
	v39 =	vshll.u32 v19, $0x1;
	v34 =	vld.idx.msk [tilespmem:v41+s15+$0x0], $0xffff  }
0x198: {  	v7 =	vand.u32 $0x1E, v7;
	v42 =	vshll.u32 v6, $0x1;
	v41 =	vand.u32 $0x1E, v44;
	v40 =	vld.idx.msk [tilespmem:v29+s2+$0x0], $0xffff  }
0x199: {  	v11 =	vxor.u32 v11, v32;
	v27 =	vshrl.u32 v27, v28;
	v36 =	vshrl.u32 v37, v36  }
0x19a: {  	v10 =	vxor.u32 v10, v33;
	vm8 =	vmand vm8, vm4;
	v24 =	vshrl.u32 v24, v41  }
0x19b: {  	v28 =	vshll.u32 v22, $0x1;
	v7 =	vshrl.u32 v30, v7;
	v30 =	vshll.u32 v45, $0x2  }
0x19c: {  	v32 =	vand.u32 $0x3, v36;
	v33 =	vand.u32 $0x3, v7;
	v7 =	vshrl.u32 v25, v31  }
0x19d: {  	v25 =	vshll.u32 v26, $0x2;
	v7 =	vand.u32 $0x3, v7;
	v30 =	vor.u32 v30, v33  }
0x19e: {  	v31 =	vshrl.u32 v34, v35;
	v34 =	vshll.u32 v26, $0x1;
	v35 =	vshll.u32 v22, $0x2  }
0x19f: {  	v31 =	vand.u32 $0x3, v31;
	v36 =	vshll.u32 v40, $0x2  }
0x1a0: {  	v41 =	vshll.u32 v45, $0x1;
	v37 =	vshrl.u32 v32, $0x1  }
0x1a1: {  	v46 =	vshll.u32 v21, $0x2;
	v44 =	vshll.u32 v40, $0x1;
	v43 =	vshrl.u32 v31, $0x1  }
0x1a2: {  	v27 =	vand.u32 $0x3, v27;
	v24 =	vand.u32 $0x3, v24;
	v34 =	vor.u32 v34, v43  }
0x1a3: {  	vm9 =	vne.s32 v29, $0x0;
	v29 =	vshrl.u32 v24, $0x1;
	v24 =	vor.u32 v36, v24  }
0x1a4: {  	vm7 =	vmand vm9, vm7;
	v32 =	vor.u32 v35, v32;
	v29 =	vor.u32 v44, v29  }
0x1a5: {  	vm6 =	vmand vm7, vm6;
	v25 =	vor.u32 v25, v31;
	v31 =	vshll.u32 v21, $0x1  }
0x1a6: {  	v35 =	vshrl.u32 v19, $0x4;
	v29 =	vxor.u32 v29, v32;
	v32 =	vshrl.u32 v27, $0x1  }
0x1a7: {  	v16 =	vxor.u32 v26, v16;
	v26 =	vor.u32 v28, v37;
	v28 =	vxor.u32 v45, v29  }
0x1a8: {  	vm2 =	vmand vm8, vm2;
	v23 =	vadd.s32 v38, v23;
	v20 =	vxor.u32 v34, v20  }
0x1a9: {  	v33 =	vshrl.u32 v33, $0x1;
	v29 =	vnsel vm5, $0x0, v16;
	v34 =	vsel vm2, $0x1, v3;
	v16 =	vld.idx.msk [tilespmem:v19+s2+$0x0], $0xffff  }
0x1aa: {  	v33 =	vor.u32 v41, v33;
	v31 =	vor.u32 v31, v32;
	v32 =	vshrl.u32 v7, $0x1  }
0x1ab: {  	vm5 =	vmand vm8, vm9;
	v20 =	vxor.u32 v22, v20;
	v34 =	vadd.s32 v34, v23  }
0x1ac: {  	v24 =	vxor.u32 v33, v24;
	v22 =	vxor.u32 v26, v25;
	v23 =	vor.u32 v46, v27  }
0x1ad: {  	v26 =	vsel vm5, $0x1, v3;
	v25 =	vxor.u32 v40, v22;
	v22 =	vor.u32 v42, v32  }
0x1ae: {  	v27 =	vnsel vm2, $0x0, v20;
	vm2 =	vne.s32 v19, $0x0;
	v20 =	vxor.u32 v22, v23  }
0x1af: {  	v30 =	vxor.u32 v31, v30;
	vm3 =	vmand vm3, vm2;
	v20 =	vxor.u32 v16, v20  }
0x1b0: {  	v32 =	vand.u32 $0x1E, v39;
	v31 =	vxor.u32 v29, v27;
	v20 =	vnsel vm3, $0x0, v20  }
0x1b1: {  	vm4 =	vmand vm7, vm4;
	v23 =	vand.u32 v29, v27;
	v22 =	vsel vm6, $0x1, v3  }
0x1b2: {  	v24 =	vxor.u32 v21, v24;
	v25 =	vnsel vm5, $0x0, v25;
	v27 =	vnsel vm4, $0x0, v28;
	v33 =	vld.idx.msk [tilespmem:v35+s15+$0x0], $0xffff  }
0x1b3: {  	v28 =	vxor.u32 v6, v30;
	v21 =	vand.u32 v31, v25;
	v25 =	vxor.u32 v31, v25  }
.Ltmp3:
0x1b4: {  	v29 =	vxor.u32 v23, v21;
	v21 =	vadd.s32 v26, v34;
	v26 =	vnsel vm6, $0x0, v24;
	(pc) =	sbr.rel @p0 .LBB2_9-.Ltmp3, $4  }
0x1b5: {  	v30 =	vnsel vm0, $0x0, v28;
	v24 =	vand.u32 v25, v27;
	v27 =	vxor.u32 v25, v27  }
0x1b6: {  	v25 =	vxor.u32 v29, v24;
	v34 =	vand.u32 v27, v26;
	v26 =	vxor.u32 v27, v26  }
0x1b7: {  	v27 =	vxor.u32 v25, v34;
	v28 =	vand.u32 v26, v30;
	v31 =	vxor.u32 v26, v30  }
0x1b8: {  	v26 =	vand.u32 v29, v34;
	v29 =	vxor.u32 v27, v28;
	v30 =	vshrl.u32 v33, v32  }
0x1b9: {  	v32 =	vadd.s32 $0xD46, v1;
	_ =	sdelay $0x2  }
0x1ba: {  	v33 =	vadd.s32 $0xD47, v1;
	v34 =	vsel vm4, $0x1, v3  }
0x1bb: {  	vm1 =	vne.s32 v19, $0x0;
	vm2 =	vne.s32 v18, $0x0;
	v18 =	vsel vm0, $0x1, v3  }
0x1bc: {  	v19 =	vsel vm3, $0x1, v3;
	v35 =	vand.u32 v31, v20;
	v20 =	vxor.u32 v31, v20;
	v32 =	vld.idx.msk [tilespmem:v32+s16+$0x0], $0xffff  }
0x1bd: {  	v25 =	vand.u32 v25, v28;
	v23 =	vand.u32 v23, v24;
	v6 =	vshll.u32 v6, $0x2  }
0x1be: {  	vm14 =	vmand vm2, vm1;
	v62 =	vxor.u32 v35, v29;
	v23 =	vxor.u32 v23, v26  }
0x1bf: {  	v26 =	vand.u32 v14, v20;
	v27 =	vand.u32 v27, v35;
	v21 =	vadd.s32 v34, v21;
	v33 =	vld.idx.msk [tilespmem:v33+s16+$0x0], $0xffff  }
0x1c0: {  	v14 =	vxor.u32 v14, v20;
	v6 =	vor.u32 v6, v7;
	v7 =	vshll.u32 v16, $0x1  }
0x1c1: {  	v29 =	vxor.u32 v17, v62;
	v23 =	vxor.u32 v25, v23;
	v24 =	vshrl.u32 v32, $0x4  }
0x1c2: {  	v17 =	vand.u32 v17, v62;
	v25 =	vand.u32 v26, v29;
	v23 =	vxor.u32 v27, v23  }
0x1c3: {  	v16 =	vshll.u32 v16, $0x2;
	v17 =	vor.u32 v17, v25;
	v25 =	vxor.u32 v15, v23  }
0x1c4: {  	v20 =	vadd.s32 v22, v21;
	v15 =	vand.u32 v15, v23;
	v23 =	vand.u32 v25, v17  }
0x1c5: {  	v27 =	vand.u32 $0x3, v30;
	v18 =	vadd.s32 v18, v20;
	v15 =	vor.u32 v15, v23  }
0x1c6: {  	s26 =	simm.s32 $0x0;
	v21 =	vxor.u32 v26, v29;
	v18 =	vadd.s32 v19, v18;
	v20 =	vand.u32 v11, v15;
	v24 =	vld.idx.msk [tilespmem:v24+s15+$0x0], $0xffff  }
0x1c7: {  	v16 =	vor.u32 v16, v27;
	v17 =	vxor.u32 v25, v17;
	v19 =	vand.u32 v10, v20;
	v26 =	vld.idx.msk [tilespmem:v33+s26+$0x0], $0xffff  }
0x1c8: {  	v25 =	vand.u32 v12, v19;
	v19 =	vxor.u32 v12, v19;
	vm13 =	vne.s32 v32, $0x0;
	v22 =	vld.idx.msk [tilespmem:v32+s26+$0x0], $0xffff  }
0x1c9: {  	vm15 =	vne.s32 v33, $0x0;
	v23 =	vshll.u32 v32, $0x1;
	v63 =	vand.u32 v5, v25  }
0x1ca: {  	vm0 =	vmand vm14, vm13;
	vm2 =	vmand vm13, vm15;
	v23 =	vand.u32 $0x1E, v23  }
0x1cb: {  	vm1 =	vmand vm1, vm2;
	v23 =	vshrl.u32 v24, v23;
	v24 =	vshrl.u32 v27, $0x1  }
0x1cc: {  	v16 =	vxor.u32 v16, v26;
	v7 =	vor.u32 v7, v24;
	v23 =	vshrl.u32 v23, $0x1  }
0x1cd: {  	v24 =	vshll.u32 v22, $0x1;
	v23 =	vand.u32 $0x1, v23;
	v6 =	vxor.u32 v6, v7  }
0x1ce: {  	v7 =	vor.u32 v24, v23;
	v6 =	vxor.u32 v22, v6;
	v22 =	vxor.u32 v5, v25  }
0x1cf: {  	v5 =	vsel vm0, $0x1, v3;
	v7 =	vxor.u32 v7, v16;
	v16 =	vxor.u32 v13, v63  }
0x1d0: {  	v6 =	vnsel vm0, $0x0, v6;
	v13 =	vxor.u32 v11, v15;
	v7 =	vnsel vm1, $0x0, v7  }
0x1d1: {  	v15 =	vxor.u32 v10, v20;
	v5 =	vadd.s32 v5, v18;
	v12 =	vxor.u32 v6, v7  }
0x1d2: {  	v10 =	vsel vm1, $0x1, v3;
	v6 =	vand.u32 v6, v7;
	v11 =	vand.u32 v14, v12  }
0x1d3: {  	v5 =	vadd.s32 v10, v5;
	v7 =	vor.u32 v6, v11  }
0x1d4: {  	v6 =	vxor.u32 v21, v6;
	v18 =	vand.u32 v21, v7;
	v7 =	vxor.u32 v14, v12  }
0x1d5: {  	v10 =	vxor.u32 v11, v6;
	v20 =	vand.u32 v17, v18;
	v11 =	vxor.u32 v17, v18  }
0x1d6: {  	v24 =	vshrl.u32 v10, s26;
	v6 =	vand.u32 v13, v20;
	v12 =	vxor.u32 v13, v20  }
0x1d7: {  	v20 =	vmov s26;
	v23 =	vshrl.u32 v11, s26;
	v14 =	vand.u32 v9, v6  }
0x1d8: {  	v9 =	vxor.u32 v15, v6;
	v6 =	vmov s25;
	v15 =	vor.u32 s25, v0  }
0x1d9: {  	v18 =	vshrl.u32 v12, s26;
	v13 =	vxor.u32 v19, v14;
	v14 =	vand.u32 v19, v14  }
0x1da: {  	v6 =	vshll.u32 v6, $0x3;
	v15 =	vand.u32 $0x7F, v15;
	v17 =	vand.u32 v8, v14  }
0x1db: {  	v6 =	vand.u32 $0xC00, v6;
	v8 =	vxor.u32 v22, v14;
	v21 =	vshrl.u32 v13, s26  }
0x1dc: {  	v22 =	vshrl.u32 v7, s26;
	v14 =	vxor.u32 v16, v17;
	v6 =	vor.u32 v6, v15  }
0x1dd: {  	v15 =	vshrl.u32 v8, s26;
	v17 =	vshrl.u32 v9, s26;
	v16 =	vshrl.u32 v14, s26  }
0x1de: {  	s25 =	simm.s32 $0x1;
	v19 =	vshll.u32 v15, $0x6;
	v15 =	vshll.u32 v16, $0x7;
	v16 =	vshll.u32 v20, $0x7  }
.LBB2_11:
0x1df: {  	p0 =	sne.s32 s25, $0x1F;
	v24 =	vshll.u32 v24, $0x1;
	v21 =	vshll.u32 v21, $0x5;
	v20 =	vshll.u32 v20, $0x9  }
0x1e0: {  	v22 =	vand.u32 $0x1, v22;
	v23 =	vshll.u32 v23, $0x2;
	v24 =	vand.u32 $0x2, v24  }
0x1e1: {  	v18 =	vshll.u32 v18, $0x3;
	v23 =	vand.u32 $0x4, v23;
	v22 =	vor.u32 v22, v24  }
0x1e2: {  	v17 =	vshll.u32 v17, $0x4;
	v18 =	vand.u32 $0x8, v18;
	v22 =	vor.u32 v23, v22  }
0x1e3: {  	v19 =	vand.u32 $0x40, v19;
	v17 =	vand.u32 $0x10, v17;
	v18 =	vor.u32 v18, v22  }
0x1e4: {  	v20 =	vand.u32 $0x3000, v20;
	v17 =	vor.u32 v17, v18;
	v18 =	vand.u32 $0x20, v21  }
0x1e5: {  	v16 =	vand.u32 $0x380, v16;
	v17 =	vor.u32 v18, v17;
	v18 =	vor.u32 v20, v6  }
0x1e6: {  	v15 =	vand.u32 $0x80, v15;
	v17 =	vor.u32 v19, v17;
	v16 =	vor.u32 v16, v18  }
0x1e7: {  	v15 =	vor.u32 v15, v17  }
.Ltmp4:
0x1e8: {  	v25 =	vshrl.u32 v14, s25;
	v19 =	vshrl.u32 v8, s25;
	v15 =	vshll.u32 v15, $0x1;
	(pc) =	sbr.rel @p0 .LBB2_11-.Ltmp4, $4  }
0x1e9: {  	v21 =	vshrl.u32 v13, s25;
	v20 =	vmov s25;
	vm0 =	vlt.s32 v15, v5  }
0x1ea: {  	v18 =	vshrl.u32 v12, s25;
	v17 =	vshrl.u32 v9, s25;
	v15 =	vsel vm0, $0x3F800000, v4  }
0x1eb: {  	v24 =	vshrl.u32 v10, s25;
	v23 =	vshrl.u32 v11, s25;
	v22 =	vshrl.u32 v7, s25;
	[tilespmem:v16+s19+$0x0] =	vst.idx.msk $0xffff, v15  }
0x1ec: {  	v19 =	vshll.u32 v19, $0x6;
	s25 =	sadd.s32 $0x1, s25;
	v15 =	vshll.u32 v25, $0x7;
	v16 =	vshll.u32 v20, $0x7  }
0x1ed: {  	v7 =	vshll.u32 v24, $0x1;
	v8 =	vshll.u32 v21, $0x5;
	v9 =	vshll.u32 v20, $0x9  }
0x1ee: {  	v10 =	vand.u32 $0x1, v22;
	v11 =	vshll.u32 v23, $0x2;
	v7 =	vand.u32 $0x2, v7  }
0x1ef: {  	v57 =	vshll.u32 v18, $0x3;
	v56 =	vand.u32 $0x4, v11;
	v7 =	vor.u32 v10, v7  }
0x1f0: {  	v59 =	vshll.u32 v17, $0x4;
	v58 =	vand.u32 $0x8, v57;
	v7 =	vor.u32 v56, v7  }
0x1f1: {  	v61 =	vand.u32 $0x40, v19;
	v60 =	vand.u32 $0x10, v59;
	v7 =	vor.u32 v58, v7  }
0x1f2: {  	v8 =	vand.u32 $0x20, v8;
	v9 =	vand.u32 $0x3000, v9;
	v7 =	vor.u32 v60, v7  }
0x1f3: {  	v62 =	vand.u32 $0x380, v16;
	s24 =	sadd.s32 $0x1, s24;
	v6 =	vor.u32 v9, v6;
	v7 =	vor.u32 v8, v7  }
0x1f4: {  	v63 =	vand.u32 $0x80, v15;
	p0 =	sne.s32 s24, $0x10;
	v6 =	vor.u32 v62, v6;
	v7 =	vor.u32 v61, v7  }
.Ltmp5:
0x1f5: {  	v7 =	vor.u32 v63, v7;
	(pc) =	sbr.rel @p0 .LBB2_4-.Ltmp5, $4  }
0x1f6: {  	v7 =	vshll.u32 v7, $0x1  }
0x1f7: {  	vm0 =	vlt.s32 v7, v5  }
0x1f8: {  	v5 =	vsel vm0, $0x3F800000, v4  }
0x1f9: {  	[tilespmem:v6+s19+$0x0] =	vst.idx.msk $0xffff, v5  }
0x1fa: {  	s23 =	sadd.s32 $0x1, s23  }
0x1fb: {  	p0 =	sne.s32 s23, s13  }
.Ltmp6:
0x1fc: {  	_ = 	snop;
	(pc) =	sbr.rel @p0 .LBB2_1-.Ltmp6, $4  }
0x1fd: {  	[hbm4b:s12+s21] =	stream.strided.scatter [tilespmem:s19], [sflag:$0x3], $0x4000, s22, s21, $0x38;
	[tilespmem:$0x1FEA0] =	vst v63  }
0x1fe: {  	_ =	swait.ge [sflag:s14], $0x4000  }
0x1ff: {  	[sflag:s14] =	ssyncset.done $0x0  }
0x200: {  	[sflag:s14] =	ssyncadd.s32 $0xFFFFC000  }
0x201: {  	_ =	sfence.sel $0x180000  }
0x202: {  	[bflag:$0x0] =	sbarrier.arrive $0xFFFF  }
0x203: {  	_ =	strace $0x90000047  }
0x204: {  	s0 =	stileid.u32;
	[bflag:$0x2] =	sbarrier.arrive $0xFFFF  }
0x205: {  	p0 =	sne.s32 s0, $0x0;
	s0 =	rddreg [dreg:$0x3]  }
0x206: {  	s0 =	sadd.s32 @!p0 $0x100000, s0  }
0x207: {  	[sflag:s0] =	ssyncadd.tile.s32 @!p0 $0x1;
	_ =	shalt  }
.Lfunc_end2:
_tile_overlayer_lowered:
.L_overlay_start_2:
0x208: {  	(tag) =	ssettag $0x2  }
0x209: {  	s0 =	rddreg [dreg:$0x0];
	s2 =	stileid.u32  }
0x20a: {  	s1 =	rddreg [dreg:$0x1];
	p0 =	sne.s32 s2, $0x0  }
0x20b: {  	s3 =	rddreg [dreg:$0x2];
	[bflag:$0x3] =	sbarrier.arrive $0xFFFF;
	s2 =	simm.s32 @!p0 $0x1C03  }
0x20c: {  	[timem:s3], [sflag:s2] =	dma.local @!p0 [hbm:s0], s1  }
0x20d: {  	s0 =	simm.s32 @!p0 $0x3  }
0x20e: {  	_ =	swait.ge @!p0 [sflag:s0], s1  }
0x20f: {  	s1 =	ssub.s32 @!p0 $0x0, s1;
	[sflag:s0] =	ssyncset.done @!p0 $0x0  }
0x210: {  	[sflag:s0] =	ssyncadd.s32 @!p0 s1  }
0x211: {  	[bflag:$0x3] =	sbarrier.arrive $0xFFFF  }
0x212: {  	_ =	shalt  }

</sc_bundles>
